<compile_context>
chip_gen: v7x
topology: tpu7x:2x2x1
jax: 0.10.2.dev20260603
libtpu: 0.0.44.dev20260713+nightly
codegen_flags: <defaults>
</compile_context>

<pallas_src>
import jax
import jax.numpy as jnp
from jax import lax
from jax.experimental import pallas as pl
from jax.experimental.pallas import tpu as pltpu
from jax.experimental.pallas import tpu_sc as plsc

N_CLS = 10
B = 8
N = 32768
NC = 2
NS = 16
BPC = B // NC
CPB = NS // BPC
CHUNK = N // CPB
HBINS = 16 * 128
INF = float("inf")

_mesh = plsc.VectorSubcoreMesh(
    core_axis_name="c", subcore_axis_name="s", num_cores=NC, num_subcores=NS
)


_OUT_TYPE = [
    jax.ShapeDtypeStruct((B, 16), jnp.int32),
    jax.ShapeDtypeStruct((B, 16), jnp.int32),
]
_SCRATCH_TYPES = [
    pltpu.VMEM((CHUNK,), jnp.int32),
    pltpu.VMEM((CHUNK,), jnp.int32),
    pltpu.VMEM((HBINS,), jnp.int32),
    pltpu.VMEM((HBINS,), jnp.int32),
    pltpu.VMEM((11, 16), jnp.float32),
    pltpu.VMEM((16,), jnp.float32),
    pltpu.VMEM((16,), jnp.int32),
    pltpu.VMEM_SHARED((NS, HBINS), jnp.int32),
    pltpu.SemaphoreType.DMA,
    pltpu.SemaphoreType.DMA,
]


def _miou_body(predicts_hbm, targets_hbm, col_hbm, tin_hbm,
             t_v, p_v, hist_v, tmp_v, cost_v, u_v, ans_v,
             sh_hist, sem_t, sem_p):
    c = lax.axis_index("c")
    s = lax.axis_index("s")
    b_local = s // CPB
    chunk = s % CPB
    b = c * BPC + b_local
    iota = lax.broadcasted_iota(jnp.int32, (16,), 0)
    zeros_i = jnp.zeros((16,), jnp.int32)
    ones_i = jnp.ones((16,), jnp.int32)

    cp_t = pltpu.async_copy(targets_hbm.at[b, pl.ds(chunk * CHUNK, CHUNK)],
                            t_v, sem_t)
    cp_p = pltpu.async_copy(predicts_hbm.at[b, pl.ds(chunk * CHUNK, CHUNK)],
                            p_v, sem_p)

    @plsc.parallel_loop(0, HBINS // 16, unroll=8)
    def _zero(k):
        hist_v[pl.ds(k * 16, 16)] = zeros_i

    cp_t.wait()
    cp_p.wait()

    bank = iota * 128

    @plsc.parallel_loop(0, CHUNK // 16, unroll=8)
    def _count(n):
        t = t_v[pl.ds(n * 16, 16)]
        p = p_v[pl.ds(n * 16, 16)]
        idx = bank + t * N_CLS + p
        plsc.addupdate_scatter(hist_v, [idx], ones_i)

    pltpu.sync_copy(hist_v, sh_hist.at[s])
    plsc.subcore_barrier()

    @pl.when(chunk == 0)
    def _owner():
        for r in range(1, CPB):
            pltpu.sync_copy(sh_hist.at[s + r], tmp_v)

            @plsc.parallel_loop(0, HBINS // 16, unroll=8)
            def _add(k, _r=r):
                cur = hist_v[pl.ds(k * 16, 16)]
                hist_v[pl.ds(k * 16, 16)] = cur + tmp_v[pl.ds(k * 16, 16)]

        @plsc.parallel_loop(0, 8, unroll=2)
        def _bank(jb):
            acc = zeros_i
            for l in range(16):
                acc = acc + hist_v[pl.ds(l * 128 + jb * 16, 16)]
            tmp_v[pl.ds(jb * 16, 16)] = acc

        lane_lt10 = iota < N_CLS
        pcnt = jnp.zeros((16,), jnp.float32)
        tcnt = jnp.zeros((16,), jnp.float32)
        tcnt_s = []
        for j in range(N_CLS):
            row = plsc.load_gather(tmp_v, [j * N_CLS + iota])
            rowf = jnp.where(lane_lt10, row.astype(jnp.float32), 0.0)
            pcnt = pcnt + rowf
            sj = jnp.sum(rowf)
            tcnt_s.append(sj)
            tcnt = jnp.where(iota == j, sj, tcnt)

        tin = jnp.max(jnp.where(tcnt > 0.0, iota, 0)) + 1

        u_v[...] = pcnt
        sh_idx = jnp.maximum(iota - 1, 0)
        pcnt_sh = plsc.load_gather(u_v, [sh_idx])
        col_live = (iota >= 1) & (iota <= N_CLS)
        cost_v[0, :] = jnp.full((16,), INF)
        for i in range(N_CLS):
            inter_sh = plsc.load_gather(
                tmp_v, [jnp.maximum(i * N_CLS + iota - 1, 0)]
            ).astype(jnp.float32)
            union_sh = tcnt_s[i] + pcnt_sh - inter_sh
            match_sh = inter_sh / jnp.maximum(union_sh, 1.0)
            cost_v[i + 1, :] = jnp.where(col_live, -match_sh, INF)

        u_v[...] = jnp.zeros((16,), jnp.float32)

        def augment(i, carry):
            p, way, v = carry
            p = jnp.where(iota == 0, i, p)
            ans_v[...] = p
            j0v = zeros_i
            pj0v = jnp.full((16,), i)
            minv = jnp.full((16,), INF)
            used = zeros_i

            def path_cond(st):
                _j0v, pj0v_, _way, _minv, _used, _v = st
                return jnp.max(pj0v_) != 0

            def path_body(st):
                j0v_, pj0v_, way_, minv_, used_, v_ = st
                used_ = jnp.where(iota == j0v_, 1, used_)
                usedb = used_ != 0
                i0v = pj0v_
                row = plsc.load_gather(cost_v, [i0v, iota])
                u_i0v = plsc.load_gather(u_v, [i0v])
                cur = row - u_i0v - v_
                upd = jnp.logical_and(~usedb, cur < minv_)
                minv_ = jnp.where(upd, cur, minv_)
                way_ = jnp.where(upd, j0v_, way_)
                masked = jnp.where(usedb, INF, minv_)
                delta = jnp.min(masked)
                j1v = plsc.all_reduce_ffs(masked == delta).astype(jnp.int32)
                plsc.addupdate_scatter(
                    u_v, [p], jnp.full((16,), delta), mask=usedb
                )
                v_ = v_ - jnp.where(usedb, delta, 0.0)
                minv_ = jnp.where(usedb, minv_, minv_ - delta)
                pj1v = plsc.load_gather(ans_v, [j1v])
                return (j1v, pj1v, way_, minv_, used_, v_)

            j0v, _, way, minv, used, v = lax.while_loop(
                path_cond, path_body, (j0v, pj0v, way, minv, used, v)
            )

            tmp_v[pl.ds(128, 16)] = way

            def unwind_cond(st):
                _p, j0v_ = st
                return jnp.max(j0v_) != 0

            def unwind_body(st):
                p_, j0v_ = st
                j1v = plsc.load_gather(tmp_v, [j0v_ + 128])
                pj1v = plsc.load_gather(ans_v, [j1v])
                p_ = jnp.where(iota == j0v_, pj1v, p_)
                ans_v[...] = p_
                return (p_, j1v)

            p, _ = lax.while_loop(unwind_cond, unwind_body, (p, j0v))
            return (p, way, v)

        p, _, _ = lax.fori_loop(
            1, N_CLS + 1, augment,
            (zeros_i, zeros_i, jnp.zeros((16,), jnp.float32)),
        )

        ans_v[...] = zeros_i
        valid = (p > 0) & (iota >= 1) & (iota <= N_CLS)
        plsc.store_scatter(
            ans_v, [jnp.maximum(p - 1, 0)], iota - 1, mask=valid
        )
        ans = ans_v[...]
        col = jnp.where((iota < tin) & lane_lt10, ans, 0)
        ans_v[...] = col
        pltpu.sync_copy(ans_v, col_hbm.at[b])
        ans_v[...] = jnp.full((16,), tin)
        pltpu.sync_copy(ans_v, tin_hbm.at[b])


_miou_sc = pl.kernel(
    _miou_body,
    out_type=_OUT_TYPE,
    mesh=_mesh,
    compiler_params=pltpu.CompilerParams(needs_layout_passes=False),
    scratch_types=_SCRATCH_TYPES,
)


BLK = 8192


def _bcast_body(col_ref, tin_ref, out_ref, tin_out_ref):
    colt = col_ref[...].T[0:N_CLS, :]
    out_ref[...] = jnp.broadcast_to(colt[:, :, None], (N_CLS, B, BLK))

    @pl.when(pl.program_id(0) == 0)
    def _tin():
        tin_out_ref[...] = tin_ref[...].T[0, :]


_bcast_tc = pl.pallas_call(
    _bcast_body,
    grid=(N // BLK,),
    in_specs=[
        pl.BlockSpec((B, 16), lambda i: (0, 0)),
        pl.BlockSpec((B, 16), lambda i: (0, 0)),
    ],
    out_specs=[
        pl.BlockSpec((N_CLS, B, BLK), lambda i: (0, 0, i)),
        pl.BlockSpec((B,), lambda i: (0,)),
    ],
    out_shape=[
        jax.ShapeDtypeStruct((N_CLS, B, N), jnp.int32),
        jax.ShapeDtypeStruct((B,), jnp.int32),
    ],
)


def kernel(predicts, targets):
    col8, tin8 = _miou_sc(predicts, targets)
    planes, target_inst_num = _bcast_tc(col8, tin8)
    matching_indices = jnp.transpose(planes, (1, 2, 0))
    return (matching_indices, target_inst_num)

# --- scband reference (transcript-rebuilt; emitter-appended) ---
"""Pipeline reference for scband-my-m-io-u-46076409152169 (READ-ONLY COPY).

The authoritative reference and input builder live on the scoring server;
editing this copy changes nothing except your own understanding.
"""

import jax, jax.numpy as jnp
from jax import lax
import numpy as np

N_CLASSES = 10
B = 8
N = 32768


def _hungarian_min(cost):
    # e-maxx O(n^3) Hungarian algorithm, square cost matrix, minimization.
    n = cost.shape[0]
    f = cost.dtype
    INF = jnp.array(jnp.inf, f)
    cost_ext = jnp.zeros((n + 1, n + 1), f).at[1:, 1:].set(cost)
    u0 = jnp.zeros(n + 1, f)
    v0 = jnp.zeros(n + 1, f)
    p0 = jnp.zeros(n + 1, jnp.int32)
    way0 = jnp.zeros(n + 1, jnp.int32)

    def augment(i, state):
        u, v, p, way = state
        p = p.at[0].set(i)
        j0 = jnp.int32(0)
        minv = jnp.full(n + 1, jnp.inf, f)
        used = jnp.zeros(n + 1, dtype=bool)

        def path_cond(st):
            _, _, p_, _, _, _, j0_ = st
            return p_[j0_] != 0

        def path_body(st):
            u_, v_, p_, way_, minv_, used_, j0_ = st
            used_ = used_.at[j0_].set(True)
            i0 = p_[j0_]
            cur = cost_ext[i0] - u_[i0] - v_
            upd = (~used_) & (cur < minv_)
            minv_ = jnp.where(upd, cur, minv_)
            way_ = jnp.where(upd, j0_, way_)
            masked = jnp.where(used_, INF, minv_)
            j1 = jnp.argmin(masked).astype(jnp.int32)
            delta = masked[j1]
            u_ = u_.at[p_].add(jnp.where(used_, delta, jnp.zeros((), f)))
            v_ = v_ - jnp.where(used_, delta, jnp.zeros((), f))
            minv_ = jnp.where(used_, minv_, minv_ - delta)
            return (u_, v_, p_, way_, minv_, used_, j1)

        u, v, p, way, minv, used, j0 = lax.while_loop(
            path_cond, path_body, (u, v, p, way, minv, used, j0)
        )

        def unwind_cond(st):
            return st[1] != 0

        def unwind_body(st):
            p_, j0_ = st
            j1 = way[j0_]
            p_ = p_.at[j0_].set(p_[j1])
            return (p_, j1)

        p, _ = lax.while_loop(unwind_cond, unwind_body, (p, j0))
        return (u, v, p, way)

    _, _, p, _ = lax.fori_loop(1, n + 1, augment, (u0, v0, p0, way0))
    valid = p[1:] > 0
    idx = jnp.where(valid, p[1:] - 1, n)
    ans = jnp.zeros(n, jnp.int32).at[idx].set(
        jnp.arange(n, dtype=jnp.int32), mode="drop"
    )
    return ans


def _lsa_maximize(cost):
    # scipy.optimize.linear_sum_assignment(cost, maximize=True) on the
    # zero-padded square matrix (rows past the live range are already zero).
    return _hungarian_min(-cost)


def reorder_pred_idx(inputs, target):
    inputs_idx = jnp.argmax(jnp.transpose(inputs, (0, 2, 1)), axis=-1).astype(
        jnp.int64
    )
    Bv, Cv, Nv = inputs.shape
    target_inst_num = target.max(axis=-1) + 1
    classes = jnp.arange(Cv)
    t_mask = target[:, None, :] == classes[None, :, None]
    p_mask = inputs_idx[:, None, :] == classes[None, :, None]
    inter = jnp.einsum(
        "bjn,bkn->bjk", t_mask.astype(jnp.int32), p_mask.astype(jnp.int32)
    )
    t_cnt = t_mask.astype(jnp.int32).sum(-1)
    p_cnt = p_mask.astype(jnp.int32).sum(-1)
    union = t_cnt[:, :, None] + p_cnt[:, None, :] - inter
    ratio = inter.astype(jnp.float64) / jnp.maximum(union, 1).astype(jnp.float64)
    row_live = classes[None, :, None] < target_inst_num[:, None, None]
    match_matrix = jnp.where((inter != 0) & row_live, ratio, 0.0)
    col = jax.vmap(_lsa_maximize)(match_matrix)
    col = jnp.where(classes[None, :] < target_inst_num[:, None], col, 0)
    matching_indices = jnp.broadcast_to(col[:, None, :], (Bv, Nv, Cv)).astype(
        jnp.int64
    )
    return matching_indices, target_inst_num


def setup_inputs(seed: int = 0):
    key = jax.random.key(seed)
    k1, k2 = jax.random.split(key)
    predicts = jax.random.randint(k1, (B, N), 0, N_CLASSES)
    targets = jax.random.randint(k2, (B, N), 0, N_CLASSES)
    return {"predicts": predicts, "targets": targets}


def reference(predicts, targets):
    # my_mIoU.forward: one-hot both, compute Hungarian matching indices.
    targets_onehot = jax.nn.one_hot(targets, N_CLASSES, dtype=jnp.float32)  # (B, N, C)
    inst_pred_onehot = jnp.transpose(
        jax.nn.one_hot(predicts, N_CLASSES, dtype=jnp.float32), (0, 2, 1)
    )  # (B, C, N)
    matching_indices, target_inst_num = reorder_pred_idx(inst_pred_onehot, targets)
    del targets_onehot  # computed but unused downstream, as in the torch code
    return (jnp.asarray(matching_indices), jnp.asarray(target_inst_num))

if __name__ == "__main__":
    import jax
    _d = setup_inputs()
    print(jax.jit(kernel)(*tuple(_d.values())))

</pallas_src>

<mosaic_0001>
#map = affine_map<(d0, d1) -> (0, 0)>
module attributes {stable_mosaic.version = 14 : i64} {
  func.func @_miou_body(%arg0: i32, %arg1: i32, %arg2: memref<8x32768xi32, #tpu.memory_space<hbm>>, %arg3: memref<8x32768xi32, #tpu.memory_space<hbm>>, %arg4: memref<8x16xi32, #tpu.memory_space<hbm>>, %arg5: memref<8x16xi32, #tpu.memory_space<hbm>>, %arg6: memref<8192xi32, #tpu.memory_space<vmem>>, %arg7: memref<8192xi32, #tpu.memory_space<vmem>>, %arg8: memref<2048xi32, #tpu.memory_space<vmem>>, %arg9: memref<2048xi32, #tpu.memory_space<vmem>>, %arg10: memref<11x16xf32, #tpu.memory_space<vmem>>, %arg11: memref<16xf32, #tpu.memory_space<vmem>>, %arg12: memref<16xi32, #tpu.memory_space<vmem>>, %arg13: memref<16x2048xi32, #tpu.memory_space<vmem_shared>>, %arg14: memref<!tpu.dma_semaphore, #tpu.memory_space<semaphore_mem>>, %arg15: memref<!tpu.dma_semaphore, #tpu.memory_space<semaphore_mem>>) attributes {dimension_semantics = [#tpu.dimension_semantics<core_parallel>, #tpu.dimension_semantics<subcore_parallel>], iteration_bounds = array<i64: 2, 16>, scalar_prefetch = 0 : i64, scratch_operands = 10 : i64, tpu.core_type = #tpu.core_type<sc_vector_subcore>, window_params = [{transform_indices = #map}, {transform_indices = #map}, {transform_indices = #map}, {transform_indices = #map}]} {
    %jit3A = arith.constant 4 : i32
    %div3A = arith.divsi %arg1, %jit3A : i32
    %sign3A = arith.constant 0 : i32
    %sign3A_0 = arith.cmpi sgt, %arg1, %sign3A : i32
    %sign3A_1 = arith.extui %sign3A_0 : i1 to i32
    %sign3A_2 = arith.constant 0 : i32
    %sign3A_3 = arith.cmpi slt, %arg1, %sign3A_2 : i32
    %sign3A_4 = arith.extui %sign3A_3 : i1 to i32
    %sign3A_5 = arith.subi %sign3A_1, %sign3A_4 : i32
    %sign3A_6 = arith.constant 0 : i32
    %sign3A_7 = arith.cmpi sgt, %jit3A, %sign3A_6 : i32
    %sign3A_8 = arith.extui %sign3A_7 : i1 to i32
    %sign3A_9 = arith.constant 0 : i32
    %sign3A_10 = arith.cmpi slt, %jit3A, %sign3A_9 : i32
    %sign3A_11 = arith.extui %sign3A_10 : i1 to i32
    %sign3A_12 = arith.subi %sign3A_8, %sign3A_11 : i32
    %ne3A = arith.cmpi ne, %sign3A_5, %sign3A_12 : i32
    %rem3A = arith.remsi %arg1, %jit3A : i32
    %ne3A_13 = arith.constant 0 : i32
    %ne3A_14 = arith.cmpi ne, %rem3A, %ne3A_13 : i32
    %and3A = arith.andi %ne3A, %ne3A_14 : i1
    %sub3A = arith.constant 1 : i32
    %sub3A_15 = arith.subi %div3A, %sub3A : i32
    %select_n3A = arith.select %and3A, %sub3A_15, %div3A : i32
    %jit3A_16 = arith.constant 4 : i32
    %eq3A = arith.constant 0 : i32
    %eq3A_17 = arith.cmpi eq, %jit3A_16, %eq3A : i32
    %jit3A_18 = arith.constant 1 : i32
    %select_n3A_19 = arith.select %eq3A_17, %jit3A_18, %jit3A_16 : i32
    %rem3A_20 = arith.remsi %arg1, %select_n3A_19 : i32
    %ne3A_21 = arith.constant 0 : i32
    %ne3A_22 = arith.cmpi ne, %rem3A_20, %ne3A_21 : i32
    %lt3A = arith.constant 0 : i32
    %lt3A_23 = arith.cmpi slt, %rem3A_20, %lt3A : i32
    %lt3A_24 = arith.constant 0 : i32
    %lt3A_25 = arith.cmpi slt, %select_n3A_19, %lt3A_24 : i32
    %ne3A_26 = arith.xori %lt3A_23, %lt3A_25 : i1
    %and3A_27 = arith.andi %ne3A_26, %ne3A_22 : i1
    %add3A = arith.addi %rem3A_20, %select_n3A_19 : i32
    %select_n3A_28 = arith.select %and3A_27, %add3A, %rem3A_20 : i32
    %mul3A = arith.constant 4 : i32
    %mul3A_29 = arith.muli %arg0, %mul3A : i32
    %add3A_30 = arith.addi %mul3A_29, %select_n3A : i32
    %iota3A = tpu.iota {dimensions = array<i32: 0>} : vector<16xi32>
    %broadcast_in_dim3A = arith.constant 0 : i32
    %broadcast_in_dim3A_31 = vector.broadcast %broadcast_in_dim3A : i32 to vector<16xi32>
    %broadcast_in_dim3A_32 = arith.constant 1 : i32
    %broadcast_in_dim3A_33 = vector.broadcast %broadcast_in_dim3A_32 : i32 to vector<16xi32>
    %mul3A_34 = arith.constant 8192 : i32
    %mul3A_35 = arith.muli %select_n3A_28, %mul3A_34 : i32
    %dma_start3A = tpu.memref_slice %arg3[%add3A_30, %mul3A_35] : memref<8x32768xi32, #tpu.memory_space<hbm>> -> memref<1x8192xi32, #tpu.memory_space<hbm>>
    %dma_start3A_36 = tpu.memref_squeeze %dma_start3A : memref<1x8192xi32, #tpu.memory_space<hbm>> -> memref<8192xi32, #tpu.memory_space<hbm>>
    %dma_start3A_37 = tpu.memref_slice %arg3[%add3A_30, %mul3A_35] : memref<8x32768xi32, #tpu.memory_space<hbm>> -> memref<1x8192xi32, #tpu.memory_space<hbm>>
    %dma_start3A_38 = tpu.memref_squeeze %dma_start3A_37 : memref<1x8192xi32, #tpu.memory_space<hbm>> -> memref<8192xi32, #tpu.memory_space<hbm>>
    tpu.enqueue_dma source(%dma_start3A_38 : memref<8192xi32, #tpu.memory_space<hbm>>) target(%arg6 : memref<8192xi32, #tpu.memory_space<vmem>>) target_semaphore(%arg14 : memref<!tpu.dma_semaphore, #tpu.memory_space<semaphore_mem>>)
    %mul3A_39 = arith.constant 8192 : i32
    %mul3A_40 = arith.muli %select_n3A_28, %mul3A_39 : i32
    %dma_start3A_41 = tpu.memref_slice %arg2[%add3A_30, %mul3A_40] : memref<8x32768xi32, #tpu.memory_space<hbm>> -> memref<1x8192xi32, #tpu.memory_space<hbm>>
    %dma_start3A_42 = tpu.memref_squeeze %dma_start3A_41 : memref<1x8192xi32, #tpu.memory_space<hbm>> -> memref<8192xi32, #tpu.memory_space<hbm>>
    %dma_start3A_43 = tpu.memref_slice %arg2[%add3A_30, %mul3A_40] : memref<8x32768xi32, #tpu.memory_space<hbm>> -> memref<1x8192xi32, #tpu.memory_space<hbm>>
    %dma_start3A_44 = tpu.memref_squeeze %dma_start3A_43 : memref<1x8192xi32, #tpu.memory_space<hbm>> -> memref<8192xi32, #tpu.memory_space<hbm>>
    tpu.enqueue_dma source(%dma_start3A_44 : memref<8192xi32, #tpu.memory_space<hbm>>) target(%arg7 : memref<8192xi32, #tpu.memory_space<vmem>>) target_semaphore(%arg15 : memref<!tpu.dma_semaphore, #tpu.memory_space<semaphore_mem>>)
    %parallel_loop3A = arith.constant 0 : i32
    %parallel_loop3A_45 = arith.constant 128 : i32
    %parallel_loop3A_46 = arith.constant 1 : i32
    scf.for %parallel_loop3A_63 = %parallel_loop3A to %parallel_loop3A_45 step %parallel_loop3A_46  : i32 {
      %parallel_loop3A_64 = arith.constant 16 : i32
      %parallel_loop3A_65 = arith.muli %parallel_loop3A_63, %parallel_loop3A_64 : i32
      %parallel_loop3A_66 = arith.index_cast %parallel_loop3A_65 : i32 to index
      %parallel_loop3A_67 = tpu.vector_load %arg8[%parallel_loop3A_66] {strides = array<i32>} : memref<2048xi32, #tpu.memory_space<vmem>>, vector<16xi32>,
      tpu.vector_store %arg8[%parallel_loop3A_66], %broadcast_in_dim3A_31 {strides = array<i32>} : memref<2048xi32, #tpu.memory_space<vmem>>, vector<16xi32>,
    } {sc.loop_unroll_factor = 8 : i64, sc.parallel_access}
    %dma_wait3A = tpu.memref_slice %arg3[%add3A_30, %mul3A_35] : memref<8x32768xi32, #tpu.memory_space<hbm>> -> memref<1x8192xi32, #tpu.memory_space<hbm>>
    %dma_wait3A_47 = tpu.memref_squeeze %dma_wait3A : memref<1x8192xi32, #tpu.memory_space<hbm>> -> memref<8192xi32, #tpu.memory_space<hbm>>
    %dma_wait3A_48 = tpu.memref_slice %arg3[%add3A_30, %mul3A_35] : memref<8x32768xi32, #tpu.memory_space<hbm>> -> memref<1x8192xi32, #tpu.memory_space<hbm>>
    %dma_wait3A_49 = tpu.memref_squeeze %dma_wait3A_48 : memref<1x8192xi32, #tpu.memory_space<hbm>> -> memref<8192xi32, #tpu.memory_space<hbm>>
    tpu.wait_dma2 semaphore(%arg14 : memref<!tpu.dma_semaphore, #tpu.memory_space<semaphore_mem>>) src(%dma_wait3A_49 : memref<8192xi32, #tpu.memory_space<hbm>>) dst(%arg6 : memref<8192xi32, #tpu.memory_space<vmem>>)
    %dma_wait3A_50 = tpu.memref_slice %arg2[%add3A_30, %mul3A_40] : memref<8x32768xi32, #tpu.memory_space<hbm>> -> memref<1x8192xi32, #tpu.memory_space<hbm>>
    %dma_wait3A_51 = tpu.memref_squeeze %dma_wait3A_50 : memref<1x8192xi32, #tpu.memory_space<hbm>> -> memref<8192xi32, #tpu.memory_space<hbm>>
    %dma_wait3A_52 = tpu.memref_slice %arg2[%add3A_30, %mul3A_40] : memref<8x32768xi32, #tpu.memory_space<hbm>> -> memref<1x8192xi32, #tpu.memory_space<hbm>>
    %dma_wait3A_53 = tpu.memref_squeeze %dma_wait3A_52 : memref<1x8192xi32, #tpu.memory_space<hbm>> -> memref<8192xi32, #tpu.memory_space<hbm>>
    tpu.wait_dma2 semaphore(%arg15 : memref<!tpu.dma_semaphore, #tpu.memory_space<semaphore_mem>>) src(%dma_wait3A_53 : memref<8192xi32, #tpu.memory_space<hbm>>) dst(%arg7 : memref<8192xi32, #tpu.memory_space<vmem>>)
    %mul3A_54 = arith.constant 128 : i32
    %mul3A_55 = vector.broadcast %mul3A_54 : i32 to vector<16xi32>
    %mul3A_56 = arith.muli %iota3A, %mul3A_55 : vector<16xi32>
    %parallel_loop3A_57 = arith.constant 0 : i32
    %parallel_loop3A_58 = arith.constant 512 : i32
    %parallel_loop3A_59 = arith.constant 1 : i32
    scf.for %parallel_loop3A_63 = %parallel_loop3A_57 to %parallel_loop3A_58 step %parallel_loop3A_59  : i32 {
      %parallel_loop3A_64 = arith.constant 16 : i32
      %parallel_loop3A_65 = arith.muli %parallel_loop3A_63, %parallel_loop3A_64 : i32
      %parallel_loop3A_66 = arith.index_cast %parallel_loop3A_65 : i32 to index
      %parallel_loop3A_67 = tpu.vector_load %arg6[%parallel_loop3A_66] {strides = array<i32>} : memref<8192xi32, #tpu.memory_space<vmem>>, vector<16xi32>,
      %parallel_loop3A_68 = arith.constant 16 : i32
      %parallel_loop3A_69 = arith.muli %parallel_loop3A_63, %parallel_loop3A_68 : i32
      %parallel_loop3A_70 = arith.index_cast %parallel_loop3A_69 : i32 to index
      %parallel_loop3A_71 = tpu.vector_load %arg7[%parallel_loop3A_70] {strides = array<i32>} : memref<8192xi32, #tpu.memory_space<vmem>>, vector<16xi32>,
      %parallel_loop3A_72 = arith.constant 10 : i32
      %parallel_loop3A_73 = vector.broadcast %parallel_loop3A_72 : i32 to vector<16xi32>
      %parallel_loop3A_74 = arith.muli %parallel_loop3A_67, %parallel_loop3A_73 : vector<16xi32>
      %parallel_loop3A_75 = arith.addi %mul3A_56, %parallel_loop3A_74 : vector<16xi32>
      %parallel_loop3A_76 = arith.addi %parallel_loop3A_75, %parallel_loop3A_71 : vector<16xi32>
      tpu.vector_store_idx %arg8[%parallel_loop3A_76], %broadcast_in_dim3A_33 {add = true} : memref<2048xi32, #tpu.memory_space<vmem>>[vector<16xi32>], vector<16xi32>,
    } {sc.loop_unroll_factor = 8 : i64, sc.parallel_access}
    "tpu.region"() ({
      %run_scoped3A = tpu.sem_alloc : memref<!tpu.dma_semaphore, #tpu.memory_space<semaphore_mem>>
      %dma_start3A_63 = arith.constant 0 : i32
      %dma_start3A_64 = tpu.memref_slice %arg13[%arg1, %dma_start3A_63] : memref<16x2048xi32, #tpu.memory_space<vmem_shared>> -> memref<1x2048xi32, #tpu.memory_space<vmem_shared>>
      %dma_start3A_65 = tpu.memref_squeeze %dma_start3A_64 : memref<1x2048xi32, #tpu.memory_space<vmem_shared>> -> memref<2048xi32, #tpu.memory_space<vmem_shared>>
      %dma_start3A_66 = arith.constant 0 : i32
      %dma_start3A_67 = tpu.memref_slice %arg13[%arg1, %dma_start3A_66] : memref<16x2048xi32, #tpu.memory_space<vmem_shared>> -> memref<1x2048xi32, #tpu.memory_space<vmem_shared>>
      %dma_start3A_68 = tpu.memref_squeeze %dma_start3A_67 : memref<1x2048xi32, #tpu.memory_space<vmem_shared>> -> memref<2048xi32, #tpu.memory_space<vmem_shared>>
      tpu.enqueue_dma source(%arg8 : memref<2048xi32, #tpu.memory_space<vmem>>) target(%dma_start3A_68 : memref<2048xi32, #tpu.memory_space<vmem_shared>>) target_semaphore(%run_scoped3A : memref<!tpu.dma_semaphore, #tpu.memory_space<semaphore_mem>>)
      %dma_wait3A_69 = arith.constant 0 : i32
      %dma_wait3A_70 = tpu.memref_slice %arg13[%arg1, %dma_wait3A_69] : memref<16x2048xi32, #tpu.memory_space<vmem_shared>> -> memref<1x2048xi32, #tpu.memory_space<vmem_shared>>
      %dma_wait3A_71 = tpu.memref_squeeze %dma_wait3A_70 : memref<1x2048xi32, #tpu.memory_space<vmem_shared>> -> memref<2048xi32, #tpu.memory_space<vmem_shared>>
      %dma_wait3A_72 = arith.constant 0 : i32
      %dma_wait3A_73 = tpu.memref_slice %arg13[%arg1, %dma_wait3A_72] : memref<16x2048xi32, #tpu.memory_space<vmem_shared>> -> memref<1x2048xi32, #tpu.memory_space<vmem_shared>>
      %dma_wait3A_74 = tpu.memref_squeeze %dma_wait3A_73 : memref<1x2048xi32, #tpu.memory_space<vmem_shared>> -> memref<2048xi32, #tpu.memory_space<vmem_shared>>
      tpu.wait_dma2 semaphore(%run_scoped3A : memref<!tpu.dma_semaphore, #tpu.memory_space<semaphore_mem>>) src(%arg8 : memref<2048xi32, #tpu.memory_space<vmem>>) dst(%dma_wait3A_74 : memref<2048xi32, #tpu.memory_space<vmem_shared>>)
      tpu.yield
    }) : () -> ()
    %barrier3A = arith.constant 0 : index
    tpu.barrier barrier_id(%barrier3A)
    %eq3A_60 = arith.constant 0 : i32
    %eq3A_61 = arith.cmpi eq, %select_n3A_28, %eq3A_60 : i32
    %convert_element_type3A = arith.extui %eq3A_61 : i1 to i32
    %cond3A = arith.constant 0 : i32
    %cond3A_62 = arith.cmpi ne, %convert_element_type3A, %cond3A : i32
    scf.if %cond3A_62 {
      %add3A_63 = arith.constant 1 : i32
      %add3A_64 = arith.addi %arg1, %add3A_63 : i32
      "tpu.region"() ({
        %run_scoped3A = tpu.sem_alloc : memref<!tpu.dma_semaphore, #tpu.memory_space<semaphore_mem>>
        %dma_start3A_622 = arith.constant 0 : i32
        %dma_start3A_623 = tpu.memref_slice %arg13[%add3A_64, %dma_start3A_622] : memref<16x2048xi32, #tpu.memory_space<vmem_shared>> -> memref<1x2048xi32, #tpu.memory_space<vmem_shared>>
        %dma_start3A_624 = tpu.memref_squeeze %dma_start3A_623 : memref<1x2048xi32, #tpu.memory_space<vmem_shared>> -> memref<2048xi32, #tpu.memory_space<vmem_shared>>
        %dma_start3A_625 = arith.constant 0 : i32
        %dma_start3A_626 = tpu.memref_slice %arg13[%add3A_64, %dma_start3A_625] : memref<16x2048xi32, #tpu.memory_space<vmem_shared>> -> memref<1x2048xi32, #tpu.memory_space<vmem_shared>>
        %dma_start3A_627 = tpu.memref_squeeze %dma_start3A_626 : memref<1x2048xi32, #tpu.memory_space<vmem_shared>> -> memref<2048xi32, #tpu.memory_space<vmem_shared>>
        tpu.enqueue_dma source(%dma_start3A_627 : memref<2048xi32, #tpu.memory_space<vmem_shared>>) target(%arg9 : memref<2048xi32, #tpu.memory_space<vmem>>) target_semaphore(%run_scoped3A : memref<!tpu.dma_semaphore, #tpu.memory_space<semaphore_mem>>)
        %dma_wait3A_628 = arith.constant 0 : i32
        %dma_wait3A_629 = tpu.memref_slice %arg13[%add3A_64, %dma_wait3A_628] : memref<16x2048xi32, #tpu.memory_space<vmem_shared>> -> memref<1x2048xi32, #tpu.memory_space<vmem_shared>>
        %dma_wait3A_630 = tpu.memref_squeeze %dma_wait3A_629 : memref<1x2048xi32, #tpu.memory_space<vmem_shared>> -> memref<2048xi32, #tpu.memory_space<vmem_shared>>
        %dma_wait3A_631 = arith.constant 0 : i32
        %dma_wait3A_632 = tpu.memref_slice %arg13[%add3A_64, %dma_wait3A_631] : memref<16x2048xi32, #tpu.memory_space<vmem_shared>> -> memref<1x2048xi32, #tpu.memory_space<vmem_shared>>
        %dma_wait3A_633 = tpu.memref_squeeze %dma_wait3A_632 : memref<1x2048xi32, #tpu.memory_space<vmem_shared>> -> memref<2048xi32, #tpu.memory_space<vmem_shared>>
        tpu.wait_dma2 semaphore(%run_scoped3A : memref<!tpu.dma_semaphore, #tpu.memory_space<semaphore_mem>>) src(%dma_wait3A_633 : memref<2048xi32, #tpu.memory_space<vmem_shared>>) dst(%arg9 : memref<2048xi32, #tpu.memory_space<vmem>>)
        tpu.yield
      }) : () -> ()
      %parallel_loop3A_65 = arith.constant 0 : i32
      %parallel_loop3A_66 = arith.constant 128 : i32
      %parallel_loop3A_67 = arith.constant 1 : i32
      scf.for %parallel_loop3A_622 = %parallel_loop3A_65 to %parallel_loop3A_66 step %parallel_loop3A_67  : i32 {
        %parallel_loop3A_623 = arith.constant 16 : i32
        %parallel_loop3A_624 = arith.muli %parallel_loop3A_622, %parallel_loop3A_623 : i32
        %parallel_loop3A_625 = arith.index_cast %parallel_loop3A_624 : i32 to index
        %parallel_loop3A_626 = tpu.vector_load %arg8[%parallel_loop3A_625] {strides = array<i32>} : memref<2048xi32, #tpu.memory_space<vmem>>, vector<16xi32>,
        %parallel_loop3A_627 = arith.constant 16 : i32
        %parallel_loop3A_628 = arith.muli %parallel_loop3A_622, %parallel_loop3A_627 : i32
        %parallel_loop3A_629 = arith.index_cast %parallel_loop3A_628 : i32 to index
        %parallel_loop3A_630 = tpu.vector_load %arg9[%parallel_loop3A_629] {strides = array<i32>} : memref<2048xi32, #tpu.memory_space<vmem>>, vector<16xi32>,
        %parallel_loop3A_631 = arith.addi %parallel_loop3A_626, %parallel_loop3A_630 : vector<16xi32>
        %parallel_loop3A_632 = arith.constant 16 : i32
        %parallel_loop3A_633 = arith.muli %parallel_loop3A_622, %parallel_loop3A_632 : i32
        %parallel_loop3A_634 = arith.index_cast %parallel_loop3A_633 : i32 to index
        %parallel_loop3A_635 = tpu.vector_load %arg8[%parallel_loop3A_634] {strides = array<i32>} : memref<2048xi32, #tpu.memory_space<vmem>>, vector<16xi32>,
        tpu.vector_store %arg8[%parallel_loop3A_634], %parallel_loop3A_631 {strides = array<i32>} : memref<2048xi32, #tpu.memory_space<vmem>>, vector<16xi32>,
      } {sc.loop_unroll_factor = 8 : i64, sc.parallel_access}
      %add3A_68 = arith.constant 2 : i32
      %add3A_69 = arith.addi %arg1, %add3A_68 : i32
      "tpu.region"() ({
        %run_scoped3A = tpu.sem_alloc : memref<!tpu.dma_semaphore, #tpu.memory_space<semaphore_mem>>
        %dma_start3A_622 = arith.constant 0 : i32
        %dma_start3A_623 = tpu.memref_slice %arg13[%add3A_69, %dma_start3A_622] : memref<16x2048xi32, #tpu.memory_space<vmem_shared>> -> memref<1x2048xi32, #tpu.memory_space<vmem_shared>>
        %dma_start3A_624 = tpu.memref_squeeze %dma_start3A_623 : memref<1x2048xi32, #tpu.memory_space<vmem_shared>> -> memref<2048xi32, #tpu.memory_space<vmem_shared>>
        %dma_start3A_625 = arith.constant 0 : i32
        %dma_start3A_626 = tpu.memref_slice %arg13[%add3A_69, %dma_start3A_625] : memref<16x2048xi32, #tpu.memory_space<vmem_shared>> -> memref<1x2048xi32, #tpu.memory_space<vmem_shared>>
        %dma_start3A_627 = tpu.memref_squeeze %dma_start3A_626 : memref<1x2048xi32, #tpu.memory_space<vmem_shared>> -> memref<2048xi32, #tpu.memory_space<vmem_shared>>
        tpu.enqueue_dma source(%dma_start3A_627 : memref<2048xi32, #tpu.memory_space<vmem_shared>>) target(%arg9 : memref<2048xi32, #tpu.memory_space<vmem>>) target_semaphore(%run_scoped3A : memref<!tpu.dma_semaphore, #tpu.memory_space<semaphore_mem>>)
        %dma_wait3A_628 = arith.constant 0 : i32
        %dma_wait3A_629 = tpu.memref_slice %arg13[%add3A_69, %dma_wait3A_628] : memref<16x2048xi32, #tpu.memory_space<vmem_shared>> -> memref<1x2048xi32, #tpu.memory_space<vmem_shared>>
        %dma_wait3A_630 = tpu.memref_squeeze %dma_wait3A_629 : memref<1x2048xi32, #tpu.memory_space<vmem_shared>> -> memref<2048xi32, #tpu.memory_space<vmem_shared>>
        %dma_wait3A_631 = arith.constant 0 : i32
        %dma_wait3A_632 = tpu.memref_slice %arg13[%add3A_69, %dma_wait3A_631] : memref<16x2048xi32, #tpu.memory_space<vmem_shared>> -> memref<1x2048xi32, #tpu.memory_space<vmem_shared>>
        %dma_wait3A_633 = tpu.memref_squeeze %dma_wait3A_632 : memref<1x2048xi32, #tpu.memory_space<vmem_shared>> -> memref<2048xi32, #tpu.memory_space<vmem_shared>>
        tpu.wait_dma2 semaphore(%run_scoped3A : memref<!tpu.dma_semaphore, #tpu.memory_space<semaphore_mem>>) src(%dma_wait3A_633 : memref<2048xi32, #tpu.memory_space<vmem_shared>>) dst(%arg9 : memref<2048xi32, #tpu.memory_space<vmem>>)
        tpu.yield
      }) : () -> ()
      %parallel_loop3A_70 = arith.constant 0 : i32
      %parallel_loop3A_71 = arith.constant 128 : i32
      %parallel_loop3A_72 = arith.constant 1 : i32
      scf.for %parallel_loop3A_622 = %parallel_loop3A_70 to %parallel_loop3A_71 step %parallel_loop3A_72  : i32 {
        %parallel_loop3A_623 = arith.constant 16 : i32
        %parallel_loop3A_624 = arith.muli %parallel_loop3A_622, %parallel_loop3A_623 : i32
        %parallel_loop3A_625 = arith.index_cast %parallel_loop3A_624 : i32 to index
        %parallel_loop3A_626 = tpu.vector_load %arg8[%parallel_loop3A_625] {strides = array<i32>} : memref<2048xi32, #tpu.memory_space<vmem>>, vector<16xi32>,
        %parallel_loop3A_627 = arith.constant 16 : i32
        %parallel_loop3A_628 = arith.muli %parallel_loop3A_622, %parallel_loop3A_627 : i32
        %parallel_loop3A_629 = arith.index_cast %parallel_loop3A_628 : i32 to index
        %parallel_loop3A_630 = tpu.vector_load %arg9[%parallel_loop3A_629] {strides = array<i32>} : memref<2048xi32, #tpu.memory_space<vmem>>, vector<16xi32>,
        %parallel_loop3A_631 = arith.addi %parallel_loop3A_626, %parallel_loop3A_630 : vector<16xi32>
        %parallel_loop3A_632 = arith.constant 16 : i32
        %parallel_loop3A_633 = arith.muli %parallel_loop3A_622, %parallel_loop3A_632 : i32
        %parallel_loop3A_634 = arith.index_cast %parallel_loop3A_633 : i32 to index
        %parallel_loop3A_635 = tpu.vector_load %arg8[%parallel_loop3A_634] {strides = array<i32>} : memref<2048xi32, #tpu.memory_space<vmem>>, vector<16xi32>,
        tpu.vector_store %arg8[%parallel_loop3A_634], %parallel_loop3A_631 {strides = array<i32>} : memref<2048xi32, #tpu.memory_space<vmem>>, vector<16xi32>,
      } {sc.loop_unroll_factor = 8 : i64, sc.parallel_access}
      %add3A_73 = arith.constant 3 : i32
      %add3A_74 = arith.addi %arg1, %add3A_73 : i32
      "tpu.region"() ({
        %run_scoped3A = tpu.sem_alloc : memref<!tpu.dma_semaphore, #tpu.memory_space<semaphore_mem>>
        %dma_start3A_622 = arith.constant 0 : i32
        %dma_start3A_623 = tpu.memref_slice %arg13[%add3A_74, %dma_start3A_622] : memref<16x2048xi32, #tpu.memory_space<vmem_shared>> -> memref<1x2048xi32, #tpu.memory_space<vmem_shared>>
        %dma_start3A_624 = tpu.memref_squeeze %dma_start3A_623 : memref<1x2048xi32, #tpu.memory_space<vmem_shared>> -> memref<2048xi32, #tpu.memory_space<vmem_shared>>
        %dma_start3A_625 = arith.constant 0 : i32
        %dma_start3A_626 = tpu.memref_slice %arg13[%add3A_74, %dma_start3A_625] : memref<16x2048xi32, #tpu.memory_space<vmem_shared>> -> memref<1x2048xi32, #tpu.memory_space<vmem_shared>>
        %dma_start3A_627 = tpu.memref_squeeze %dma_start3A_626 : memref<1x2048xi32, #tpu.memory_space<vmem_shared>> -> memref<2048xi32, #tpu.memory_space<vmem_shared>>
        tpu.enqueue_dma source(%dma_start3A_627 : memref<2048xi32, #tpu.memory_space<vmem_shared>>) target(%arg9 : memref<2048xi32, #tpu.memory_space<vmem>>) target_semaphore(%run_scoped3A : memref<!tpu.dma_semaphore, #tpu.memory_space<semaphore_mem>>)
        %dma_wait3A_628 = arith.constant 0 : i32
        %dma_wait3A_629 = tpu.memref_slice %arg13[%add3A_74, %dma_wait3A_628] : memref<16x2048xi32, #tpu.memory_space<vmem_shared>> -> memref<1x2048xi32, #tpu.memory_space<vmem_shared>>
        %dma_wait3A_630 = tpu.memref_squeeze %dma_wait3A_629 : memref<1x2048xi32, #tpu.memory_space<vmem_shared>> -> memref<2048xi32, #tpu.memory_space<vmem_shared>>
        %dma_wait3A_631 = arith.constant 0 : i32
        %dma_wait3A_632 = tpu.memref_slice %arg13[%add3A_74, %dma_wait3A_631] : memref<16x2048xi32, #tpu.memory_space<vmem_shared>> -> memref<1x2048xi32, #tpu.memory_space<vmem_shared>>
        %dma_wait3A_633 = tpu.memref_squeeze %dma_wait3A_632 : memref<1x2048xi32, #tpu.memory_space<vmem_shared>> -> memref<2048xi32, #tpu.memory_space<vmem_shared>>
        tpu.wait_dma2 semaphore(%run_scoped3A : memref<!tpu.dma_semaphore, #tpu.memory_space<semaphore_mem>>) src(%dma_wait3A_633 : memref<2048xi32, #tpu.memory_space<vmem_shared>>) dst(%arg9 : memref<2048xi32, #tpu.memory_space<vmem>>)
        tpu.yield
      }) : () -> ()
      %parallel_loop3A_75 = arith.constant 0 : i32
      %parallel_loop3A_76 = arith.constant 128 : i32
      %parallel_loop3A_77 = arith.constant 1 : i32
      scf.for %parallel_loop3A_622 = %parallel_loop3A_75 to %parallel_loop3A_76 step %parallel_loop3A_77  : i32 {
        %parallel_loop3A_623 = arith.constant 16 : i32
        %parallel_loop3A_624 = arith.muli %parallel_loop3A_622, %parallel_loop3A_623 : i32
        %parallel_loop3A_625 = arith.index_cast %parallel_loop3A_624 : i32 to index
        %parallel_loop3A_626 = tpu.vector_load %arg8[%parallel_loop3A_625] {strides = array<i32>} : memref<2048xi32, #tpu.memory_space<vmem>>, vector<16xi32>,
        %parallel_loop3A_627 = arith.constant 16 : i32
        %parallel_loop3A_628 = arith.muli %parallel_loop3A_622, %parallel_loop3A_627 : i32
        %parallel_loop3A_629 = arith.index_cast %parallel_loop3A_628 : i32 to index
        %parallel_loop3A_630 = tpu.vector_load %arg9[%parallel_loop3A_629] {strides = array<i32>} : memref<2048xi32, #tpu.memory_space<vmem>>, vector<16xi32>,
        %parallel_loop3A_631 = arith.addi %parallel_loop3A_626, %parallel_loop3A_630 : vector<16xi32>
        %parallel_loop3A_632 = arith.constant 16 : i32
        %parallel_loop3A_633 = arith.muli %parallel_loop3A_622, %parallel_loop3A_632 : i32
        %parallel_loop3A_634 = arith.index_cast %parallel_loop3A_633 : i32 to index
        %parallel_loop3A_635 = tpu.vector_load %arg8[%parallel_loop3A_634] {strides = array<i32>} : memref<2048xi32, #tpu.memory_space<vmem>>, vector<16xi32>,
        tpu.vector_store %arg8[%parallel_loop3A_634], %parallel_loop3A_631 {strides = array<i32>} : memref<2048xi32, #tpu.memory_space<vmem>>, vector<16xi32>,
      } {sc.loop_unroll_factor = 8 : i64, sc.parallel_access}
      %parallel_loop3A_78 = arith.constant 0 : i32
      %parallel_loop3A_79 = arith.constant 8 : i32
      %parallel_loop3A_80 = arith.constant 1 : i32
      scf.for %parallel_loop3A_622 = %parallel_loop3A_78 to %parallel_loop3A_79 step %parallel_loop3A_80  : i32 {
        %parallel_loop3A_623 = arith.constant 16 : i32
        %parallel_loop3A_624 = arith.muli %parallel_loop3A_622, %parallel_loop3A_623 : i32
        %parallel_loop3A_625 = arith.constant 0 : i32
        %parallel_loop3A_626 = arith.addi %parallel_loop3A_625, %parallel_loop3A_624 : i32
        %parallel_loop3A_627 = arith.index_cast %parallel_loop3A_626 : i32 to index
        %parallel_loop3A_628 = tpu.vector_load %arg8[%parallel_loop3A_627] {strides = array<i32>} : memref<2048xi32, #tpu.memory_space<vmem>>, vector<16xi32>,
        %parallel_loop3A_629 = arith.addi %broadcast_in_dim3A_31, %parallel_loop3A_628 : vector<16xi32>
        %parallel_loop3A_630 = arith.constant 16 : i32
        %parallel_loop3A_631 = arith.muli %parallel_loop3A_622, %parallel_loop3A_630 : i32
        %parallel_loop3A_632 = arith.constant 128 : i32
        %parallel_loop3A_633 = arith.addi %parallel_loop3A_632, %parallel_loop3A_631 : i32
        %parallel_loop3A_634 = arith.index_cast %parallel_loop3A_633 : i32 to index
        %parallel_loop3A_635 = tpu.vector_load %arg8[%parallel_loop3A_634] {strides = array<i32>} : memref<2048xi32, #tpu.memory_space<vmem>>, vector<16xi32>,
        %parallel_loop3A_636 = arith.addi %parallel_loop3A_629, %parallel_loop3A_635 : vector<16xi32>
        %parallel_loop3A_637 = arith.constant 16 : i32
        %parallel_loop3A_638 = arith.muli %parallel_loop3A_622, %parallel_loop3A_637 : i32
        %parallel_loop3A_639 = arith.constant 256 : i32
        %parallel_loop3A_640 = arith.addi %parallel_loop3A_639, %parallel_loop3A_638 : i32
        %parallel_loop3A_641 = arith.index_cast %parallel_loop3A_640 : i32 to index
        %parallel_loop3A_642 = tpu.vector_load %arg8[%parallel_loop3A_641] {strides = array<i32>} : memref<2048xi32, #tpu.memory_space<vmem>>, vector<16xi32>,
        %parallel_loop3A_643 = arith.addi %parallel_loop3A_636, %parallel_loop3A_642 : vector<16xi32>
        %parallel_loop3A_644 = arith.constant 16 : i32
        %parallel_loop3A_645 = arith.muli %parallel_loop3A_622, %parallel_loop3A_644 : i32
        %parallel_loop3A_646 = arith.constant 384 : i32
        %parallel_loop3A_647 = arith.addi %parallel_loop3A_646, %parallel_loop3A_645 : i32
        %parallel_loop3A_648 = arith.index_cast %parallel_loop3A_647 : i32 to index
        %parallel_loop3A_649 = tpu.vector_load %arg8[%parallel_loop3A_648] {strides = array<i32>} : memref<2048xi32, #tpu.memory_space<vmem>>, vector<16xi32>,
        %parallel_loop3A_650 = arith.addi %parallel_loop3A_643, %parallel_loop3A_649 : vector<16xi32>
        %parallel_loop3A_651 = arith.constant 16 : i32
        %parallel_loop3A_652 = arith.muli %parallel_loop3A_622, %parallel_loop3A_651 : i32
        %parallel_loop3A_653 = arith.constant 512 : i32
        %parallel_loop3A_654 = arith.addi %parallel_loop3A_653, %parallel_loop3A_652 : i32
        %parallel_loop3A_655 = arith.index_cast %parallel_loop3A_654 : i32 to index
        %parallel_loop3A_656 = tpu.vector_load %arg8[%parallel_loop3A_655] {strides = array<i32>} : memref<2048xi32, #tpu.memory_space<vmem>>, vector<16xi32>,
        %parallel_loop3A_657 = arith.addi %parallel_loop3A_650, %parallel_loop3A_656 : vector<16xi32>
        %parallel_loop3A_658 = arith.constant 16 : i32
        %parallel_loop3A_659 = arith.muli %parallel_loop3A_622, %parallel_loop3A_658 : i32
        %parallel_loop3A_660 = arith.constant 640 : i32
        %parallel_loop3A_661 = arith.addi %parallel_loop3A_660, %parallel_loop3A_659 : i32
        %parallel_loop3A_662 = arith.index_cast %parallel_loop3A_661 : i32 to index
        %parallel_loop3A_663 = tpu.vector_load %arg8[%parallel_loop3A_662] {strides = array<i32>} : memref<2048xi32, #tpu.memory_space<vmem>>, vector<16xi32>,
        %parallel_loop3A_664 = arith.addi %parallel_loop3A_657, %parallel_loop3A_663 : vector<16xi32>
        %parallel_loop3A_665 = arith.constant 16 : i32
        %parallel_loop3A_666 = arith.muli %parallel_loop3A_622, %parallel_loop3A_665 : i32
        %parallel_loop3A_667 = arith.constant 768 : i32
        %parallel_loop3A_668 = arith.addi %parallel_loop3A_667, %parallel_loop3A_666 : i32
        %parallel_loop3A_669 = arith.index_cast %parallel_loop3A_668 : i32 to index
        %parallel_loop3A_670 = tpu.vector_load %arg8[%parallel_loop3A_669] {strides = array<i32>} : memref<2048xi32, #tpu.memory_space<vmem>>, vector<16xi32>,
        %parallel_loop3A_671 = arith.addi %parallel_loop3A_664, %parallel_loop3A_670 : vector<16xi32>
        %parallel_loop3A_672 = arith.constant 16 : i32
        %parallel_loop3A_673 = arith.muli %parallel_loop3A_622, %parallel_loop3A_672 : i32
        %parallel_loop3A_674 = arith.constant 896 : i32
        %parallel_loop3A_675 = arith.addi %parallel_loop3A_674, %parallel_loop3A_673 : i32
        %parallel_loop3A_676 = arith.index_cast %parallel_loop3A_675 : i32 to index
        %parallel_loop3A_677 = tpu.vector_load %arg8[%parallel_loop3A_676] {strides = array<i32>} : memref<2048xi32, #tpu.memory_space<vmem>>, vector<16xi32>,
        %parallel_loop3A_678 = arith.addi %parallel_loop3A_671, %parallel_loop3A_677 : vector<16xi32>
        %parallel_loop3A_679 = arith.constant 16 : i32
        %parallel_loop3A_680 = arith.muli %parallel_loop3A_622, %parallel_loop3A_679 : i32
        %parallel_loop3A_681 = arith.constant 1024 : i32
        %parallel_loop3A_682 = arith.addi %parallel_loop3A_681, %parallel_loop3A_680 : i32
        %parallel_loop3A_683 = arith.index_cast %parallel_loop3A_682 : i32 to index
        %parallel_loop3A_684 = tpu.vector_load %arg8[%parallel_loop3A_683] {strides = array<i32>} : memref<2048xi32, #tpu.memory_space<vmem>>, vector<16xi32>,
        %parallel_loop3A_685 = arith.addi %parallel_loop3A_678, %parallel_loop3A_684 : vector<16xi32>
        %parallel_loop3A_686 = arith.constant 16 : i32
        %parallel_loop3A_687 = arith.muli %parallel_loop3A_622, %parallel_loop3A_686 : i32
        %parallel_loop3A_688 = arith.constant 1152 : i32
        %parallel_loop3A_689 = arith.addi %parallel_loop3A_688, %parallel_loop3A_687 : i32
        %parallel_loop3A_690 = arith.index_cast %parallel_loop3A_689 : i32 to index
        %parallel_loop3A_691 = tpu.vector_load %arg8[%parallel_loop3A_690] {strides = array<i32>} : memref<2048xi32, #tpu.memory_space<vmem>>, vector<16xi32>,
        %parallel_loop3A_692 = arith.addi %parallel_loop3A_685, %parallel_loop3A_691 : vector<16xi32>
        %parallel_loop3A_693 = arith.constant 16 : i32
        %parallel_loop3A_694 = arith.muli %parallel_loop3A_622, %parallel_loop3A_693 : i32
        %parallel_loop3A_695 = arith.constant 1280 : i32
        %parallel_loop3A_696 = arith.addi %parallel_loop3A_695, %parallel_loop3A_694 : i32
        %parallel_loop3A_697 = arith.index_cast %parallel_loop3A_696 : i32 to index
        %parallel_loop3A_698 = tpu.vector_load %arg8[%parallel_loop3A_697] {strides = array<i32>} : memref<2048xi32, #tpu.memory_space<vmem>>, vector<16xi32>,
        %parallel_loop3A_699 = arith.addi %parallel_loop3A_692, %parallel_loop3A_698 : vector<16xi32>
        %parallel_loop3A_700 = arith.constant 16 : i32
        %parallel_loop3A_701 = arith.muli %parallel_loop3A_622, %parallel_loop3A_700 : i32
        %parallel_loop3A_702 = arith.constant 1408 : i32
        %parallel_loop3A_703 = arith.addi %parallel_loop3A_702, %parallel_loop3A_701 : i32
        %parallel_loop3A_704 = arith.index_cast %parallel_loop3A_703 : i32 to index
        %parallel_loop3A_705 = tpu.vector_load %arg8[%parallel_loop3A_704] {strides = array<i32>} : memref<2048xi32, #tpu.memory_space<vmem>>, vector<16xi32>,
        %parallel_loop3A_706 = arith.addi %parallel_loop3A_699, %parallel_loop3A_705 : vector<16xi32>
        %parallel_loop3A_707 = arith.constant 16 : i32
        %parallel_loop3A_708 = arith.muli %parallel_loop3A_622, %parallel_loop3A_707 : i32
        %parallel_loop3A_709 = arith.constant 1536 : i32
        %parallel_loop3A_710 = arith.addi %parallel_loop3A_709, %parallel_loop3A_708 : i32
        %parallel_loop3A_711 = arith.index_cast %parallel_loop3A_710 : i32 to index
        %parallel_loop3A_712 = tpu.vector_load %arg8[%parallel_loop3A_711] {strides = array<i32>} : memref<2048xi32, #tpu.memory_space<vmem>>, vector<16xi32>,
        %parallel_loop3A_713 = arith.addi %parallel_loop3A_706, %parallel_loop3A_712 : vector<16xi32>
        %parallel_loop3A_714 = arith.constant 16 : i32
        %parallel_loop3A_715 = arith.muli %parallel_loop3A_622, %parallel_loop3A_714 : i32
        %parallel_loop3A_716 = arith.constant 1664 : i32
        %parallel_loop3A_717 = arith.addi %parallel_loop3A_716, %parallel_loop3A_715 : i32
        %parallel_loop3A_718 = arith.index_cast %parallel_loop3A_717 : i32 to index
        %parallel_loop3A_719 = tpu.vector_load %arg8[%parallel_loop3A_718] {strides = array<i32>} : memref<2048xi32, #tpu.memory_space<vmem>>, vector<16xi32>,
        %parallel_loop3A_720 = arith.addi %parallel_loop3A_713, %parallel_loop3A_719 : vector<16xi32>
        %parallel_loop3A_721 = arith.constant 16 : i32
        %parallel_loop3A_722 = arith.muli %parallel_loop3A_622, %parallel_loop3A_721 : i32
        %parallel_loop3A_723 = arith.constant 1792 : i32
        %parallel_loop3A_724 = arith.addi %parallel_loop3A_723, %parallel_loop3A_722 : i32
        %parallel_loop3A_725 = arith.index_cast %parallel_loop3A_724 : i32 to index
        %parallel_loop3A_726 = tpu.vector_load %arg8[%parallel_loop3A_725] {strides = array<i32>} : memref<2048xi32, #tpu.memory_space<vmem>>, vector<16xi32>,
        %parallel_loop3A_727 = arith.addi %parallel_loop3A_720, %parallel_loop3A_726 : vector<16xi32>
        %parallel_loop3A_728 = arith.constant 16 : i32
        %parallel_loop3A_729 = arith.muli %parallel_loop3A_622, %parallel_loop3A_728 : i32
        %parallel_loop3A_730 = arith.constant 1920 : i32
        %parallel_loop3A_731 = arith.addi %parallel_loop3A_730, %parallel_loop3A_729 : i32
        %parallel_loop3A_732 = arith.index_cast %parallel_loop3A_731 : i32 to index
        %parallel_loop3A_733 = tpu.vector_load %arg8[%parallel_loop3A_732] {strides = array<i32>} : memref<2048xi32, #tpu.memory_space<vmem>>, vector<16xi32>,
        %parallel_loop3A_734 = arith.addi %parallel_loop3A_727, %parallel_loop3A_733 : vector<16xi32>
        %parallel_loop3A_735 = arith.constant 16 : i32
        %parallel_loop3A_736 = arith.muli %parallel_loop3A_622, %parallel_loop3A_735 : i32
        %parallel_loop3A_737 = arith.index_cast %parallel_loop3A_736 : i32 to index
        %parallel_loop3A_738 = tpu.vector_load %arg9[%parallel_loop3A_737] {strides = array<i32>} : memref<2048xi32, #tpu.memory_space<vmem>>, vector<16xi32>,
        tpu.vector_store %arg9[%parallel_loop3A_737], %parallel_loop3A_734 {strides = array<i32>} : memref<2048xi32, #tpu.memory_space<vmem>>, vector<16xi32>,
      } {sc.loop_unroll_factor = 2 : i64, sc.parallel_access}
      %lt3A_81 = arith.constant 10 : i32
      %lt3A_82 = vector.broadcast %lt3A_81 : i32 to vector<16xi32>
      %lt3A_83 = arith.cmpi slt, %iota3A, %lt3A_82 : vector<16xi32>
      %broadcast_in_dim3A_84 = arith.constant 0.000000e+00 : f32
      %broadcast_in_dim3A_85 = vector.broadcast %broadcast_in_dim3A_84 : f32 to vector<16xf32>
      %broadcast_in_dim3A_86 = arith.constant 0.000000e+00 : f32
      %broadcast_in_dim3A_87 = vector.broadcast %broadcast_in_dim3A_86 : f32 to vector<16xf32>
      %add3A_88 = arith.constant 0 : i32
      %add3A_89 = vector.broadcast %add3A_88 : i32 to vector<16xi32>
      %add3A_90 = arith.addi %add3A_89, %iota3A : vector<16xi32>
      %gather3A = tpu.vector_load_idx %arg9[%add3A_90] : memref<2048xi32, #tpu.memory_space<vmem>>[vector<16xi32>], vector<16xi32>,
      %convert_element_type3A_91 = arith.sitofp %gather3A : vector<16xi32> to vector<16xf32>
      %jit3A_92 = arith.constant 0.000000e+00 : f32
      %broadcast_in_dim3A_93 = vector.broadcast %jit3A_92 : f32 to vector<16xf32>
      %select_n3A_94 = arith.select %lt3A_83, %convert_element_type3A_91, %broadcast_in_dim3A_93 : vector<16xi1>, vector<16xf32>
      %add3A_95 = arith.addf %broadcast_in_dim3A_85, %select_n3A_94 : vector<16xf32>
      %reduce_sum3A = arith.constant true
      %reduce_sum3A_96 = vector.broadcast %reduce_sum3A : i1 to vector<16xi1>
      %reduce_sum3A_97 = tpu.scan <sum>, %select_n3A_94 masked %reduce_sum3A_96 : vector<16xf32>, vector<16xi1> -> vector<16xf32>
      %reduce_sum3A_98 = vector.extract %reduce_sum3A_97[15] : f32 from vector<16xf32>
      %eq3A_99 = arith.constant 0 : i32
      %eq3A_100 = vector.broadcast %eq3A_99 : i32 to vector<16xi32>
      %eq3A_101 = arith.cmpi eq, %iota3A, %eq3A_100 : vector<16xi32>
      %broadcast_in_dim3A_102 = vector.broadcast %reduce_sum3A_98 : f32 to vector<16xf32>
      %select_n3A_103 = arith.select %eq3A_101, %broadcast_in_dim3A_102, %broadcast_in_dim3A_87 : vector<16xi1>, vector<16xf32>
      %add3A_104 = arith.constant 10 : i32
      %add3A_105 = vector.broadcast %add3A_104 : i32 to vector<16xi32>
      %add3A_106 = arith.addi %add3A_105, %iota3A : vector<16xi32>
      %gather3A_107 = tpu.vector_load_idx %arg9[%add3A_106] : memref<2048xi32, #tpu.memory_space<vmem>>[vector<16xi32>], vector<16xi32>,
      %convert_element_type3A_108 = arith.sitofp %gather3A_107 : vector<16xi32> to vector<16xf32>
      %jit3A_109 = arith.constant 0.000000e+00 : f32
      %broadcast_in_dim3A_110 = vector.broadcast %jit3A_109 : f32 to vector<16xf32>
      %select_n3A_111 = arith.select %lt3A_83, %convert_element_type3A_108, %broadcast_in_dim3A_110 : vector<16xi1>, vector<16xf32>
      %add3A_112 = arith.addf %add3A_95, %select_n3A_111 : vector<16xf32>
      %reduce_sum3A_113 = arith.constant true
      %reduce_sum3A_114 = vector.broadcast %reduce_sum3A_113 : i1 to vector<16xi1>
      %reduce_sum3A_115 = tpu.scan <sum>, %select_n3A_111 masked %reduce_sum3A_114 : vector<16xf32>, vector<16xi1> -> vector<16xf32>
      %reduce_sum3A_116 = vector.extract %reduce_sum3A_115[15] : f32 from vector<16xf32>
      %eq3A_117 = arith.constant 1 : i32
      %eq3A_118 = vector.broadcast %eq3A_117 : i32 to vector<16xi32>
      %eq3A_119 = arith.cmpi eq, %iota3A, %eq3A_118 : vector<16xi32>
      %broadcast_in_dim3A_120 = vector.broadcast %reduce_sum3A_116 : f32 to vector<16xf32>
      %select_n3A_121 = arith.select %eq3A_119, %broadcast_in_dim3A_120, %select_n3A_103 : vector<16xi1>, vector<16xf32>
      %add3A_122 = arith.constant 20 : i32
      %add3A_123 = vector.broadcast %add3A_122 : i32 to vector<16xi32>
      %add3A_124 = arith.addi %add3A_123, %iota3A : vector<16xi32>
      %gather3A_125 = tpu.vector_load_idx %arg9[%add3A_124] : memref<2048xi32, #tpu.memory_space<vmem>>[vector<16xi32>], vector<16xi32>,
      %convert_element_type3A_126 = arith.sitofp %gather3A_125 : vector<16xi32> to vector<16xf32>
      %jit3A_127 = arith.constant 0.000000e+00 : f32
      %broadcast_in_dim3A_128 = vector.broadcast %jit3A_127 : f32 to vector<16xf32>
      %select_n3A_129 = arith.select %lt3A_83, %convert_element_type3A_126, %broadcast_in_dim3A_128 : vector<16xi1>, vector<16xf32>
      %add3A_130 = arith.addf %add3A_112, %select_n3A_129 : vector<16xf32>
      %reduce_sum3A_131 = arith.constant true
      %reduce_sum3A_132 = vector.broadcast %reduce_sum3A_131 : i1 to vector<16xi1>
      %reduce_sum3A_133 = tpu.scan <sum>, %select_n3A_129 masked %reduce_sum3A_132 : vector<16xf32>, vector<16xi1> -> vector<16xf32>
      %reduce_sum3A_134 = vector.extract %reduce_sum3A_133[15] : f32 from vector<16xf32>
      %eq3A_135 = arith.constant 2 : i32
      %eq3A_136 = vector.broadcast %eq3A_135 : i32 to vector<16xi32>
      %eq3A_137 = arith.cmpi eq, %iota3A, %eq3A_136 : vector<16xi32>
      %broadcast_in_dim3A_138 = vector.broadcast %reduce_sum3A_134 : f32 to vector<16xf32>
      %select_n3A_139 = arith.select %eq3A_137, %broadcast_in_dim3A_138, %select_n3A_121 : vector<16xi1>, vector<16xf32>
      %add3A_140 = arith.constant 30 : i32
      %add3A_141 = vector.broadcast %add3A_140 : i32 to vector<16xi32>
      %add3A_142 = arith.addi %add3A_141, %iota3A : vector<16xi32>
      %gather3A_143 = tpu.vector_load_idx %arg9[%add3A_142] : memref<2048xi32, #tpu.memory_space<vmem>>[vector<16xi32>], vector<16xi32>,
      %convert_element_type3A_144 = arith.sitofp %gather3A_143 : vector<16xi32> to vector<16xf32>
      %jit3A_145 = arith.constant 0.000000e+00 : f32
      %broadcast_in_dim3A_146 = vector.broadcast %jit3A_145 : f32 to vector<16xf32>
      %select_n3A_147 = arith.select %lt3A_83, %convert_element_type3A_144, %broadcast_in_dim3A_146 : vector<16xi1>, vector<16xf32>
      %add3A_148 = arith.addf %add3A_130, %select_n3A_147 : vector<16xf32>
      %reduce_sum3A_149 = arith.constant true
      %reduce_sum3A_150 = vector.broadcast %reduce_sum3A_149 : i1 to vector<16xi1>
      %reduce_sum3A_151 = tpu.scan <sum>, %select_n3A_147 masked %reduce_sum3A_150 : vector<16xf32>, vector<16xi1> -> vector<16xf32>
      %reduce_sum3A_152 = vector.extract %reduce_sum3A_151[15] : f32 from vector<16xf32>
      %eq3A_153 = arith.constant 3 : i32
      %eq3A_154 = vector.broadcast %eq3A_153 : i32 to vector<16xi32>
      %eq3A_155 = arith.cmpi eq, %iota3A, %eq3A_154 : vector<16xi32>
      %broadcast_in_dim3A_156 = vector.broadcast %reduce_sum3A_152 : f32 to vector<16xf32>
      %select_n3A_157 = arith.select %eq3A_155, %broadcast_in_dim3A_156, %select_n3A_139 : vector<16xi1>, vector<16xf32>
      %add3A_158 = arith.constant 40 : i32
      %add3A_159 = vector.broadcast %add3A_158 : i32 to vector<16xi32>
      %add3A_160 = arith.addi %add3A_159, %iota3A : vector<16xi32>
      %gather3A_161 = tpu.vector_load_idx %arg9[%add3A_160] : memref<2048xi32, #tpu.memory_space<vmem>>[vector<16xi32>], vector<16xi32>,
      %convert_element_type3A_162 = arith.sitofp %gather3A_161 : vector<16xi32> to vector<16xf32>
      %jit3A_163 = arith.constant 0.000000e+00 : f32
      %broadcast_in_dim3A_164 = vector.broadcast %jit3A_163 : f32 to vector<16xf32>
      %select_n3A_165 = arith.select %lt3A_83, %convert_element_type3A_162, %broadcast_in_dim3A_164 : vector<16xi1>, vector<16xf32>
      %add3A_166 = arith.addf %add3A_148, %select_n3A_165 : vector<16xf32>
      %reduce_sum3A_167 = arith.constant true
      %reduce_sum3A_168 = vector.broadcast %reduce_sum3A_167 : i1 to vector<16xi1>
      %reduce_sum3A_169 = tpu.scan <sum>, %select_n3A_165 masked %reduce_sum3A_168 : vector<16xf32>, vector<16xi1> -> vector<16xf32>
      %reduce_sum3A_170 = vector.extract %reduce_sum3A_169[15] : f32 from vector<16xf32>
      %eq3A_171 = arith.constant 4 : i32
      %eq3A_172 = vector.broadcast %eq3A_171 : i32 to vector<16xi32>
      %eq3A_173 = arith.cmpi eq, %iota3A, %eq3A_172 : vector<16xi32>
      %broadcast_in_dim3A_174 = vector.broadcast %reduce_sum3A_170 : f32 to vector<16xf32>
      %select_n3A_175 = arith.select %eq3A_173, %broadcast_in_dim3A_174, %select_n3A_157 : vector<16xi1>, vector<16xf32>
      %add3A_176 = arith.constant 50 : i32
      %add3A_177 = vector.broadcast %add3A_176 : i32 to vector<16xi32>
      %add3A_178 = arith.addi %add3A_177, %iota3A : vector<16xi32>
      %gather3A_179 = tpu.vector_load_idx %arg9[%add3A_178] : memref<2048xi32, #tpu.memory_space<vmem>>[vector<16xi32>], vector<16xi32>,
      %convert_element_type3A_180 = arith.sitofp %gather3A_179 : vector<16xi32> to vector<16xf32>
      %jit3A_181 = arith.constant 0.000000e+00 : f32
      %broadcast_in_dim3A_182 = vector.broadcast %jit3A_181 : f32 to vector<16xf32>
      %select_n3A_183 = arith.select %lt3A_83, %convert_element_type3A_180, %broadcast_in_dim3A_182 : vector<16xi1>, vector<16xf32>
      %add3A_184 = arith.addf %add3A_166, %select_n3A_183 : vector<16xf32>
      %reduce_sum3A_185 = arith.constant true
      %reduce_sum3A_186 = vector.broadcast %reduce_sum3A_185 : i1 to vector<16xi1>
      %reduce_sum3A_187 = tpu.scan <sum>, %select_n3A_183 masked %reduce_sum3A_186 : vector<16xf32>, vector<16xi1> -> vector<16xf32>
      %reduce_sum3A_188 = vector.extract %reduce_sum3A_187[15] : f32 from vector<16xf32>
      %eq3A_189 = arith.constant 5 : i32
      %eq3A_190 = vector.broadcast %eq3A_189 : i32 to vector<16xi32>
      %eq3A_191 = arith.cmpi eq, %iota3A, %eq3A_190 : vector<16xi32>
      %broadcast_in_dim3A_192 = vector.broadcast %reduce_sum3A_188 : f32 to vector<16xf32>
      %select_n3A_193 = arith.select %eq3A_191, %broadcast_in_dim3A_192, %select_n3A_175 : vector<16xi1>, vector<16xf32>
      %add3A_194 = arith.constant 60 : i32
      %add3A_195 = vector.broadcast %add3A_194 : i32 to vector<16xi32>
      %add3A_196 = arith.addi %add3A_195, %iota3A : vector<16xi32>
      %gather3A_197 = tpu.vector_load_idx %arg9[%add3A_196] : memref<2048xi32, #tpu.memory_space<vmem>>[vector<16xi32>], vector<16xi32>,
      %convert_element_type3A_198 = arith.sitofp %gather3A_197 : vector<16xi32> to vector<16xf32>
      %jit3A_199 = arith.constant 0.000000e+00 : f32
      %broadcast_in_dim3A_200 = vector.broadcast %jit3A_199 : f32 to vector<16xf32>
      %select_n3A_201 = arith.select %lt3A_83, %convert_element_type3A_198, %broadcast_in_dim3A_200 : vector<16xi1>, vector<16xf32>
      %add3A_202 = arith.addf %add3A_184, %select_n3A_201 : vector<16xf32>
      %reduce_sum3A_203 = arith.constant true
      %reduce_sum3A_204 = vector.broadcast %reduce_sum3A_203 : i1 to vector<16xi1>
      %reduce_sum3A_205 = tpu.scan <sum>, %select_n3A_201 masked %reduce_sum3A_204 : vector<16xf32>, vector<16xi1> -> vector<16xf32>
      %reduce_sum3A_206 = vector.extract %reduce_sum3A_205[15] : f32 from vector<16xf32>
      %eq3A_207 = arith.constant 6 : i32
      %eq3A_208 = vector.broadcast %eq3A_207 : i32 to vector<16xi32>
      %eq3A_209 = arith.cmpi eq, %iota3A, %eq3A_208 : vector<16xi32>
      %broadcast_in_dim3A_210 = vector.broadcast %reduce_sum3A_206 : f32 to vector<16xf32>
      %select_n3A_211 = arith.select %eq3A_209, %broadcast_in_dim3A_210, %select_n3A_193 : vector<16xi1>, vector<16xf32>
      %add3A_212 = arith.constant 70 : i32
      %add3A_213 = vector.broadcast %add3A_212 : i32 to vector<16xi32>
      %add3A_214 = arith.addi %add3A_213, %iota3A : vector<16xi32>
      %gather3A_215 = tpu.vector_load_idx %arg9[%add3A_214] : memref<2048xi32, #tpu.memory_space<vmem>>[vector<16xi32>], vector<16xi32>,
      %convert_element_type3A_216 = arith.sitofp %gather3A_215 : vector<16xi32> to vector<16xf32>
      %jit3A_217 = arith.constant 0.000000e+00 : f32
      %broadcast_in_dim3A_218 = vector.broadcast %jit3A_217 : f32 to vector<16xf32>
      %select_n3A_219 = arith.select %lt3A_83, %convert_element_type3A_216, %broadcast_in_dim3A_218 : vector<16xi1>, vector<16xf32>
      %add3A_220 = arith.addf %add3A_202, %select_n3A_219 : vector<16xf32>
      %reduce_sum3A_221 = arith.constant true
      %reduce_sum3A_222 = vector.broadcast %reduce_sum3A_221 : i1 to vector<16xi1>
      %reduce_sum3A_223 = tpu.scan <sum>, %select_n3A_219 masked %reduce_sum3A_222 : vector<16xf32>, vector<16xi1> -> vector<16xf32>
      %reduce_sum3A_224 = vector.extract %reduce_sum3A_223[15] : f32 from vector<16xf32>
      %eq3A_225 = arith.constant 7 : i32
      %eq3A_226 = vector.broadcast %eq3A_225 : i32 to vector<16xi32>
      %eq3A_227 = arith.cmpi eq, %iota3A, %eq3A_226 : vector<16xi32>
      %broadcast_in_dim3A_228 = vector.broadcast %reduce_sum3A_224 : f32 to vector<16xf32>
      %select_n3A_229 = arith.select %eq3A_227, %broadcast_in_dim3A_228, %select_n3A_211 : vector<16xi1>, vector<16xf32>
      %add3A_230 = arith.constant 80 : i32
      %add3A_231 = vector.broadcast %add3A_230 : i32 to vector<16xi32>
      %add3A_232 = arith.addi %add3A_231, %iota3A : vector<16xi32>
      %gather3A_233 = tpu.vector_load_idx %arg9[%add3A_232] : memref<2048xi32, #tpu.memory_space<vmem>>[vector<16xi32>], vector<16xi32>,
      %convert_element_type3A_234 = arith.sitofp %gather3A_233 : vector<16xi32> to vector<16xf32>
      %jit3A_235 = arith.constant 0.000000e+00 : f32
      %broadcast_in_dim3A_236 = vector.broadcast %jit3A_235 : f32 to vector<16xf32>
      %select_n3A_237 = arith.select %lt3A_83, %convert_element_type3A_234, %broadcast_in_dim3A_236 : vector<16xi1>, vector<16xf32>
      %add3A_238 = arith.addf %add3A_220, %select_n3A_237 : vector<16xf32>
      %reduce_sum3A_239 = arith.constant true
      %reduce_sum3A_240 = vector.broadcast %reduce_sum3A_239 : i1 to vector<16xi1>
      %reduce_sum3A_241 = tpu.scan <sum>, %select_n3A_237 masked %reduce_sum3A_240 : vector<16xf32>, vector<16xi1> -> vector<16xf32>
      %reduce_sum3A_242 = vector.extract %reduce_sum3A_241[15] : f32 from vector<16xf32>
      %eq3A_243 = arith.constant 8 : i32
      %eq3A_244 = vector.broadcast %eq3A_243 : i32 to vector<16xi32>
      %eq3A_245 = arith.cmpi eq, %iota3A, %eq3A_244 : vector<16xi32>
      %broadcast_in_dim3A_246 = vector.broadcast %reduce_sum3A_242 : f32 to vector<16xf32>
      %select_n3A_247 = arith.select %eq3A_245, %broadcast_in_dim3A_246, %select_n3A_229 : vector<16xi1>, vector<16xf32>
      %add3A_248 = arith.constant 90 : i32
      %add3A_249 = vector.broadcast %add3A_248 : i32 to vector<16xi32>
      %add3A_250 = arith.addi %add3A_249, %iota3A : vector<16xi32>
      %gather3A_251 = tpu.vector_load_idx %arg9[%add3A_250] : memref<2048xi32, #tpu.memory_space<vmem>>[vector<16xi32>], vector<16xi32>,
      %convert_element_type3A_252 = arith.sitofp %gather3A_251 : vector<16xi32> to vector<16xf32>
      %jit3A_253 = arith.constant 0.000000e+00 : f32
      %broadcast_in_dim3A_254 = vector.broadcast %jit3A_253 : f32 to vector<16xf32>
      %select_n3A_255 = arith.select %lt3A_83, %convert_element_type3A_252, %broadcast_in_dim3A_254 : vector<16xi1>, vector<16xf32>
      %add3A_256 = arith.addf %add3A_238, %select_n3A_255 : vector<16xf32>
      %reduce_sum3A_257 = arith.constant true
      %reduce_sum3A_258 = vector.broadcast %reduce_sum3A_257 : i1 to vector<16xi1>
      %reduce_sum3A_259 = tpu.scan <sum>, %select_n3A_255 masked %reduce_sum3A_258 : vector<16xf32>, vector<16xi1> -> vector<16xf32>
      %reduce_sum3A_260 = vector.extract %reduce_sum3A_259[15] : f32 from vector<16xf32>
      %eq3A_261 = arith.constant 9 : i32
      %eq3A_262 = vector.broadcast %eq3A_261 : i32 to vector<16xi32>
      %eq3A_263 = arith.cmpi eq, %iota3A, %eq3A_262 : vector<16xi32>
      %broadcast_in_dim3A_264 = vector.broadcast %reduce_sum3A_260 : f32 to vector<16xf32>
      %select_n3A_265 = arith.select %eq3A_263, %broadcast_in_dim3A_264, %select_n3A_247 : vector<16xi1>, vector<16xf32>
      %gt3A = arith.constant 0.000000e+00 : f32
      %gt3A_266 = vector.broadcast %gt3A : f32 to vector<16xf32>
      %gt3A_267 = arith.cmpf ogt, %select_n3A_265, %gt3A_266 : vector<16xf32>
      %jit3A_268 = arith.constant 0 : i32
      %broadcast_in_dim3A_269 = vector.broadcast %jit3A_268 : i32 to vector<16xi32>
      %select_n3A_270 = arith.select %gt3A_267, %iota3A, %broadcast_in_dim3A_269 : vector<16xi1>, vector<16xi32>
      %reduce_max3A = arith.constant true
      %reduce_max3A_271 = vector.broadcast %reduce_max3A : i1 to vector<16xi1>
      %reduce_max3A_272 = arith.constant -2147483648 : i32
      %reduce_max3A_273 = vector.broadcast %reduce_max3A_272 : i32 to vector<16xi32>
      %reduce_max3A_274 = arith.xori %select_n3A_270, %reduce_max3A_273 : vector<16xi32>
      %reduce_max3A_275 = tpu.scan <max>, %reduce_max3A_274 masked %reduce_max3A_271 : vector<16xi32>, vector<16xi1> -> vector<16xi32>
      %reduce_max3A_276 = arith.xori %reduce_max3A_275, %reduce_max3A_273 : vector<16xi32>
      %reduce_max3A_277 = vector.extract %reduce_max3A_276[15] : i32 from vector<16xi32>
      %add3A_278 = arith.constant 1 : i32
      %add3A_279 = arith.addi %reduce_max3A_277, %add3A_278 : i32
      %swap3A = arith.constant 0 : index
      %swap3A_280 = tpu.vector_load %arg11[%swap3A] {strides = array<i32>} : memref<16xf32, #tpu.memory_space<vmem>>, vector<16xf32>,
      tpu.vector_store %arg11[%swap3A], %add3A_256 {strides = array<i32>} : memref<16xf32, #tpu.memory_space<vmem>>, vector<16xf32>,
      %sub3A_281 = arith.constant 1 : i32
      %sub3A_282 = vector.broadcast %sub3A_281 : i32 to vector<16xi32>
      %sub3A_283 = arith.subi %iota3A, %sub3A_282 : vector<16xi32>
      %max3A = arith.constant 0 : i32
      %max3A_284 = vector.broadcast %max3A : i32 to vector<16xi32>
      %max3A_285 = arith.maxsi %sub3A_283, %max3A_284 : vector<16xi32>
      %gather3A_286 = tpu.vector_load_idx %arg11[%max3A_285] : memref<16xf32, #tpu.memory_space<vmem>>[vector<16xi32>], vector<16xf32>,
      %ge3A = arith.constant 1 : i32
      %ge3A_287 = vector.broadcast %ge3A : i32 to vector<16xi32>
      %ge3A_288 = arith.cmpi sge, %iota3A, %ge3A_287 : vector<16xi32>
      %le3A = arith.constant 10 : i32
      %le3A_289 = vector.broadcast %le3A : i32 to vector<16xi32>
      %le3A_290 = arith.cmpi sle, %iota3A, %le3A_289 : vector<16xi32>
      %and3A_291 = arith.andi %ge3A_288, %le3A_290 : vector<16xi1>
      %broadcast_in_dim3A_292 = arith.constant 0x7F800000 : f32
      %broadcast_in_dim3A_293 = vector.broadcast %broadcast_in_dim3A_292 : f32 to vector<16xf32>
      %swap3A_294 = arith.constant 0 : i32
      %swap3A_295 = arith.index_cast %swap3A_294 : i32 to index
      %swap3A_296 = arith.constant 0 : index
      %swap3A_297 = tpu.vector_load %arg10[%swap3A_295, %swap3A_296] {strides = array<i32>} : memref<11x16xf32, #tpu.memory_space<vmem>>, vector<16xf32>,
      tpu.vector_store %arg10[%swap3A_295, %swap3A_296], %broadcast_in_dim3A_293 {strides = array<i32>} : memref<11x16xf32, #tpu.memory_space<vmem>>, vector<16xf32>,
      %add3A_298 = arith.constant 0 : i32
      %add3A_299 = vector.broadcast %add3A_298 : i32 to vector<16xi32>
      %add3A_300 = arith.addi %add3A_299, %iota3A : vector<16xi32>
      %sub3A_301 = arith.constant 1 : i32
      %sub3A_302 = vector.broadcast %sub3A_301 : i32 to vector<16xi32>
      %sub3A_303 = arith.subi %add3A_300, %sub3A_302 : vector<16xi32>
      %max3A_304 = arith.constant 0 : i32
      %max3A_305 = vector.broadcast %max3A_304 : i32 to vector<16xi32>
      %max3A_306 = arith.maxsi %sub3A_303, %max3A_305 : vector<16xi32>
      %gather3A_307 = tpu.vector_load_idx %arg9[%max3A_306] : memref<2048xi32, #tpu.memory_space<vmem>>[vector<16xi32>], vector<16xi32>,
      %convert_element_type3A_308 = arith.sitofp %gather3A_307 : vector<16xi32> to vector<16xf32>
      %add3A_309 = vector.broadcast %reduce_sum3A_98 : f32 to vector<16xf32>
      %add3A_310 = arith.addf %add3A_309, %gather3A_286 : vector<16xf32>
      %sub3A_311 = arith.subf %add3A_310, %convert_element_type3A_308 : vector<16xf32>
      %max3A_312 = arith.constant 1.000000e+00 : f32
      %max3A_313 = vector.broadcast %max3A_312 : f32 to vector<16xf32>
      %max3A_314 = arith.maximumf %sub3A_311, %max3A_313 : vector<16xf32>
      %div3A_315 = arith.divf %convert_element_type3A_308, %max3A_314 : vector<16xf32>
      %neg3A = arith.constant 0.000000e+00 : f32
      %neg3A_316 = vector.broadcast %neg3A : f32 to vector<16xf32>
      %neg3A_317 = arith.subf %neg3A_316, %div3A_315 : vector<16xf32>
      %jit3A_318 = arith.constant 0x7F800000 : f32
      %broadcast_in_dim3A_319 = vector.broadcast %jit3A_318 : f32 to vector<16xf32>
      %select_n3A_320 = arith.select %and3A_291, %neg3A_317, %broadcast_in_dim3A_319 : vector<16xi1>, vector<16xf32>
      %swap3A_321 = arith.constant 1 : i32
      %swap3A_322 = arith.index_cast %swap3A_321 : i32 to index
      %swap3A_323 = arith.constant 0 : index
      %swap3A_324 = tpu.vector_load %arg10[%swap3A_322, %swap3A_323] {strides = array<i32>} : memref<11x16xf32, #tpu.memory_space<vmem>>, vector<16xf32>,
      tpu.vector_store %arg10[%swap3A_322, %swap3A_323], %select_n3A_320 {strides = array<i32>} : memref<11x16xf32, #tpu.memory_space<vmem>>, vector<16xf32>,
      %add3A_325 = arith.constant 10 : i32
      %add3A_326 = vector.broadcast %add3A_325 : i32 to vector<16xi32>
      %add3A_327 = arith.addi %add3A_326, %iota3A : vector<16xi32>
      %sub3A_328 = arith.constant 1 : i32
      %sub3A_329 = vector.broadcast %sub3A_328 : i32 to vector<16xi32>
      %sub3A_330 = arith.subi %add3A_327, %sub3A_329 : vector<16xi32>
      %max3A_331 = arith.constant 0 : i32
      %max3A_332 = vector.broadcast %max3A_331 : i32 to vector<16xi32>
      %max3A_333 = arith.maxsi %sub3A_330, %max3A_332 : vector<16xi32>
      %gather3A_334 = tpu.vector_load_idx %arg9[%max3A_333] : memref<2048xi32, #tpu.memory_space<vmem>>[vector<16xi32>], vector<16xi32>,
      %convert_element_type3A_335 = arith.sitofp %gather3A_334 : vector<16xi32> to vector<16xf32>
      %add3A_336 = vector.broadcast %reduce_sum3A_116 : f32 to vector<16xf32>
      %add3A_337 = arith.addf %add3A_336, %gather3A_286 : vector<16xf32>
      %sub3A_338 = arith.subf %add3A_337, %convert_element_type3A_335 : vector<16xf32>
      %max3A_339 = arith.constant 1.000000e+00 : f32
      %max3A_340 = vector.broadcast %max3A_339 : f32 to vector<16xf32>
      %max3A_341 = arith.maximumf %sub3A_338, %max3A_340 : vector<16xf32>
      %div3A_342 = arith.divf %convert_element_type3A_335, %max3A_341 : vector<16xf32>
      %neg3A_343 = arith.constant 0.000000e+00 : f32
      %neg3A_344 = vector.broadcast %neg3A_343 : f32 to vector<16xf32>
      %neg3A_345 = arith.subf %neg3A_344, %div3A_342 : vector<16xf32>
      %jit3A_346 = arith.constant 0x7F800000 : f32
      %broadcast_in_dim3A_347 = vector.broadcast %jit3A_346 : f32 to vector<16xf32>
      %select_n3A_348 = arith.select %and3A_291, %neg3A_345, %broadcast_in_dim3A_347 : vector<16xi1>, vector<16xf32>
      %swap3A_349 = arith.constant 2 : i32
      %swap3A_350 = arith.index_cast %swap3A_349 : i32 to index
      %swap3A_351 = arith.constant 0 : index
      %swap3A_352 = tpu.vector_load %arg10[%swap3A_350, %swap3A_351] {strides = array<i32>} : memref<11x16xf32, #tpu.memory_space<vmem>>, vector<16xf32>,
      tpu.vector_store %arg10[%swap3A_350, %swap3A_351], %select_n3A_348 {strides = array<i32>} : memref<11x16xf32, #tpu.memory_space<vmem>>, vector<16xf32>,
      %add3A_353 = arith.constant 20 : i32
      %add3A_354 = vector.broadcast %add3A_353 : i32 to vector<16xi32>
      %add3A_355 = arith.addi %add3A_354, %iota3A : vector<16xi32>
      %sub3A_356 = arith.constant 1 : i32
      %sub3A_357 = vector.broadcast %sub3A_356 : i32 to vector<16xi32>
      %sub3A_358 = arith.subi %add3A_355, %sub3A_357 : vector<16xi32>
      %max3A_359 = arith.constant 0 : i32
      %max3A_360 = vector.broadcast %max3A_359 : i32 to vector<16xi32>
      %max3A_361 = arith.maxsi %sub3A_358, %max3A_360 : vector<16xi32>
      %gather3A_362 = tpu.vector_load_idx %arg9[%max3A_361] : memref<2048xi32, #tpu.memory_space<vmem>>[vector<16xi32>], vector<16xi32>,
      %convert_element_type3A_363 = arith.sitofp %gather3A_362 : vector<16xi32> to vector<16xf32>
      %add3A_364 = vector.broadcast %reduce_sum3A_134 : f32 to vector<16xf32>
      %add3A_365 = arith.addf %add3A_364, %gather3A_286 : vector<16xf32>
      %sub3A_366 = arith.subf %add3A_365, %convert_element_type3A_363 : vector<16xf32>
      %max3A_367 = arith.constant 1.000000e+00 : f32
      %max3A_368 = vector.broadcast %max3A_367 : f32 to vector<16xf32>
      %max3A_369 = arith.maximumf %sub3A_366, %max3A_368 : vector<16xf32>
      %div3A_370 = arith.divf %convert_element_type3A_363, %max3A_369 : vector<16xf32>
      %neg3A_371 = arith.constant 0.000000e+00 : f32
      %neg3A_372 = vector.broadcast %neg3A_371 : f32 to vector<16xf32>
      %neg3A_373 = arith.subf %neg3A_372, %div3A_370 : vector<16xf32>
      %jit3A_374 = arith.constant 0x7F800000 : f32
      %broadcast_in_dim3A_375 = vector.broadcast %jit3A_374 : f32 to vector<16xf32>
      %select_n3A_376 = arith.select %and3A_291, %neg3A_373, %broadcast_in_dim3A_375 : vector<16xi1>, vector<16xf32>
      %swap3A_377 = arith.constant 3 : i32
      %swap3A_378 = arith.index_cast %swap3A_377 : i32 to index
      %swap3A_379 = arith.constant 0 : index
      %swap3A_380 = tpu.vector_load %arg10[%swap3A_378, %swap3A_379] {strides = array<i32>} : memref<11x16xf32, #tpu.memory_space<vmem>>, vector<16xf32>,
      tpu.vector_store %arg10[%swap3A_378, %swap3A_379], %select_n3A_376 {strides = array<i32>} : memref<11x16xf32, #tpu.memory_space<vmem>>, vector<16xf32>,
      %add3A_381 = arith.constant 30 : i32
      %add3A_382 = vector.broadcast %add3A_381 : i32 to vector<16xi32>
      %add3A_383 = arith.addi %add3A_382, %iota3A : vector<16xi32>
      %sub3A_384 = arith.constant 1 : i32
      %sub3A_385 = vector.broadcast %sub3A_384 : i32 to vector<16xi32>
      %sub3A_386 = arith.subi %add3A_383, %sub3A_385 : vector<16xi32>
      %max3A_387 = arith.constant 0 : i32
      %max3A_388 = vector.broadcast %max3A_387 : i32 to vector<16xi32>
      %max3A_389 = arith.maxsi %sub3A_386, %max3A_388 : vector<16xi32>
      %gather3A_390 = tpu.vector_load_idx %arg9[%max3A_389] : memref<2048xi32, #tpu.memory_space<vmem>>[vector<16xi32>], vector<16xi32>,
      %convert_element_type3A_391 = arith.sitofp %gather3A_390 : vector<16xi32> to vector<16xf32>
      %add3A_392 = vector.broadcast %reduce_sum3A_152 : f32 to vector<16xf32>
      %add3A_393 = arith.addf %add3A_392, %gather3A_286 : vector<16xf32>
      %sub3A_394 = arith.subf %add3A_393, %convert_element_type3A_391 : vector<16xf32>
      %max3A_395 = arith.constant 1.000000e+00 : f32
      %max3A_396 = vector.broadcast %max3A_395 : f32 to vector<16xf32>
      %max3A_397 = arith.maximumf %sub3A_394, %max3A_396 : vector<16xf32>
      %div3A_398 = arith.divf %convert_element_type3A_391, %max3A_397 : vector<16xf32>
      %neg3A_399 = arith.constant 0.000000e+00 : f32
      %neg3A_400 = vector.broadcast %neg3A_399 : f32 to vector<16xf32>
      %neg3A_401 = arith.subf %neg3A_400, %div3A_398 : vector<16xf32>
      %jit3A_402 = arith.constant 0x7F800000 : f32
      %broadcast_in_dim3A_403 = vector.broadcast %jit3A_402 : f32 to vector<16xf32>
      %select_n3A_404 = arith.select %and3A_291, %neg3A_401, %broadcast_in_dim3A_403 : vector<16xi1>, vector<16xf32>
      %swap3A_405 = arith.constant 4 : i32
      %swap3A_406 = arith.index_cast %swap3A_405 : i32 to index
      %swap3A_407 = arith.constant 0 : index
      %swap3A_408 = tpu.vector_load %arg10[%swap3A_406, %swap3A_407] {strides = array<i32>} : memref<11x16xf32, #tpu.memory_space<vmem>>, vector<16xf32>,
      tpu.vector_store %arg10[%swap3A_406, %swap3A_407], %select_n3A_404 {strides = array<i32>} : memref<11x16xf32, #tpu.memory_space<vmem>>, vector<16xf32>,
      %add3A_409 = arith.constant 40 : i32
      %add3A_410 = vector.broadcast %add3A_409 : i32 to vector<16xi32>
      %add3A_411 = arith.addi %add3A_410, %iota3A : vector<16xi32>
      %sub3A_412 = arith.constant 1 : i32
      %sub3A_413 = vector.broadcast %sub3A_412 : i32 to vector<16xi32>
      %sub3A_414 = arith.subi %add3A_411, %sub3A_413 : vector<16xi32>
      %max3A_415 = arith.constant 0 : i32
      %max3A_416 = vector.broadcast %max3A_415 : i32 to vector<16xi32>
      %max3A_417 = arith.maxsi %sub3A_414, %max3A_416 : vector<16xi32>
      %gather3A_418 = tpu.vector_load_idx %arg9[%max3A_417] : memref<2048xi32, #tpu.memory_space<vmem>>[vector<16xi32>], vector<16xi32>,
      %convert_element_type3A_419 = arith.sitofp %gather3A_418 : vector<16xi32> to vector<16xf32>
      %add3A_420 = vector.broadcast %reduce_sum3A_170 : f32 to vector<16xf32>
      %add3A_421 = arith.addf %add3A_420, %gather3A_286 : vector<16xf32>
      %sub3A_422 = arith.subf %add3A_421, %convert_element_type3A_419 : vector<16xf32>
      %max3A_423 = arith.constant 1.000000e+00 : f32
      %max3A_424 = vector.broadcast %max3A_423 : f32 to vector<16xf32>
      %max3A_425 = arith.maximumf %sub3A_422, %max3A_424 : vector<16xf32>
      %div3A_426 = arith.divf %convert_element_type3A_419, %max3A_425 : vector<16xf32>
      %neg3A_427 = arith.constant 0.000000e+00 : f32
      %neg3A_428 = vector.broadcast %neg3A_427 : f32 to vector<16xf32>
      %neg3A_429 = arith.subf %neg3A_428, %div3A_426 : vector<16xf32>
      %jit3A_430 = arith.constant 0x7F800000 : f32
      %broadcast_in_dim3A_431 = vector.broadcast %jit3A_430 : f32 to vector<16xf32>
      %select_n3A_432 = arith.select %and3A_291, %neg3A_429, %broadcast_in_dim3A_431 : vector<16xi1>, vector<16xf32>
      %swap3A_433 = arith.constant 5 : i32
      %swap3A_434 = arith.index_cast %swap3A_433 : i32 to index
      %swap3A_435 = arith.constant 0 : index
      %swap3A_436 = tpu.vector_load %arg10[%swap3A_434, %swap3A_435] {strides = array<i32>} : memref<11x16xf32, #tpu.memory_space<vmem>>, vector<16xf32>,
      tpu.vector_store %arg10[%swap3A_434, %swap3A_435], %select_n3A_432 {strides = array<i32>} : memref<11x16xf32, #tpu.memory_space<vmem>>, vector<16xf32>,
      %add3A_437 = arith.constant 50 : i32
      %add3A_438 = vector.broadcast %add3A_437 : i32 to vector<16xi32>
      %add3A_439 = arith.addi %add3A_438, %iota3A : vector<16xi32>
      %sub3A_440 = arith.constant 1 : i32
      %sub3A_441 = vector.broadcast %sub3A_440 : i32 to vector<16xi32>
      %sub3A_442 = arith.subi %add3A_439, %sub3A_441 : vector<16xi32>
      %max3A_443 = arith.constant 0 : i32
      %max3A_444 = vector.broadcast %max3A_443 : i32 to vector<16xi32>
      %max3A_445 = arith.maxsi %sub3A_442, %max3A_444 : vector<16xi32>
      %gather3A_446 = tpu.vector_load_idx %arg9[%max3A_445] : memref<2048xi32, #tpu.memory_space<vmem>>[vector<16xi32>], vector<16xi32>,
      %convert_element_type3A_447 = arith.sitofp %gather3A_446 : vector<16xi32> to vector<16xf32>
      %add3A_448 = vector.broadcast %reduce_sum3A_188 : f32 to vector<16xf32>
      %add3A_449 = arith.addf %add3A_448, %gather3A_286 : vector<16xf32>
      %sub3A_450 = arith.subf %add3A_449, %convert_element_type3A_447 : vector<16xf32>
      %max3A_451 = arith.constant 1.000000e+00 : f32
      %max3A_452 = vector.broadcast %max3A_451 : f32 to vector<16xf32>
      %max3A_453 = arith.maximumf %sub3A_450, %max3A_452 : vector<16xf32>
      %div3A_454 = arith.divf %convert_element_type3A_447, %max3A_453 : vector<16xf32>
      %neg3A_455 = arith.constant 0.000000e+00 : f32
      %neg3A_456 = vector.broadcast %neg3A_455 : f32 to vector<16xf32>
      %neg3A_457 = arith.subf %neg3A_456, %div3A_454 : vector<16xf32>
      %jit3A_458 = arith.constant 0x7F800000 : f32
      %broadcast_in_dim3A_459 = vector.broadcast %jit3A_458 : f32 to vector<16xf32>
      %select_n3A_460 = arith.select %and3A_291, %neg3A_457, %broadcast_in_dim3A_459 : vector<16xi1>, vector<16xf32>
      %swap3A_461 = arith.constant 6 : i32
      %swap3A_462 = arith.index_cast %swap3A_461 : i32 to index
      %swap3A_463 = arith.constant 0 : index
      %swap3A_464 = tpu.vector_load %arg10[%swap3A_462, %swap3A_463] {strides = array<i32>} : memref<11x16xf32, #tpu.memory_space<vmem>>, vector<16xf32>,
      tpu.vector_store %arg10[%swap3A_462, %swap3A_463], %select_n3A_460 {strides = array<i32>} : memref<11x16xf32, #tpu.memory_space<vmem>>, vector<16xf32>,
      %add3A_465 = arith.constant 60 : i32
      %add3A_466 = vector.broadcast %add3A_465 : i32 to vector<16xi32>
      %add3A_467 = arith.addi %add3A_466, %iota3A : vector<16xi32>
      %sub3A_468 = arith.constant 1 : i32
      %sub3A_469 = vector.broadcast %sub3A_468 : i32 to vector<16xi32>
      %sub3A_470 = arith.subi %add3A_467, %sub3A_469 : vector<16xi32>
      %max3A_471 = arith.constant 0 : i32
      %max3A_472 = vector.broadcast %max3A_471 : i32 to vector<16xi32>
      %max3A_473 = arith.maxsi %sub3A_470, %max3A_472 : vector<16xi32>
      %gather3A_474 = tpu.vector_load_idx %arg9[%max3A_473] : memref<2048xi32, #tpu.memory_space<vmem>>[vector<16xi32>], vector<16xi32>,
      %convert_element_type3A_475 = arith.sitofp %gather3A_474 : vector<16xi32> to vector<16xf32>
      %add3A_476 = vector.broadcast %reduce_sum3A_206 : f32 to vector<16xf32>
      %add3A_477 = arith.addf %add3A_476, %gather3A_286 : vector<16xf32>
      %sub3A_478 = arith.subf %add3A_477, %convert_element_type3A_475 : vector<16xf32>
      %max3A_479 = arith.constant 1.000000e+00 : f32
      %max3A_480 = vector.broadcast %max3A_479 : f32 to vector<16xf32>
      %max3A_481 = arith.maximumf %sub3A_478, %max3A_480 : vector<16xf32>
      %div3A_482 = arith.divf %convert_element_type3A_475, %max3A_481 : vector<16xf32>
      %neg3A_483 = arith.constant 0.000000e+00 : f32
      %neg3A_484 = vector.broadcast %neg3A_483 : f32 to vector<16xf32>
      %neg3A_485 = arith.subf %neg3A_484, %div3A_482 : vector<16xf32>
      %jit3A_486 = arith.constant 0x7F800000 : f32
      %broadcast_in_dim3A_487 = vector.broadcast %jit3A_486 : f32 to vector<16xf32>
      %select_n3A_488 = arith.select %and3A_291, %neg3A_485, %broadcast_in_dim3A_487 : vector<16xi1>, vector<16xf32>
      %swap3A_489 = arith.constant 7 : i32
      %swap3A_490 = arith.index_cast %swap3A_489 : i32 to index
      %swap3A_491 = arith.constant 0 : index
      %swap3A_492 = tpu.vector_load %arg10[%swap3A_490, %swap3A_491] {strides = array<i32>} : memref<11x16xf32, #tpu.memory_space<vmem>>, vector<16xf32>,
      tpu.vector_store %arg10[%swap3A_490, %swap3A_491], %select_n3A_488 {strides = array<i32>} : memref<11x16xf32, #tpu.memory_space<vmem>>, vector<16xf32>,
      %add3A_493 = arith.constant 70 : i32
      %add3A_494 = vector.broadcast %add3A_493 : i32 to vector<16xi32>
      %add3A_495 = arith.addi %add3A_494, %iota3A : vector<16xi32>
      %sub3A_496 = arith.constant 1 : i32
      %sub3A_497 = vector.broadcast %sub3A_496 : i32 to vector<16xi32>
      %sub3A_498 = arith.subi %add3A_495, %sub3A_497 : vector<16xi32>
      %max3A_499 = arith.constant 0 : i32
      %max3A_500 = vector.broadcast %max3A_499 : i32 to vector<16xi32>
      %max3A_501 = arith.maxsi %sub3A_498, %max3A_500 : vector<16xi32>
      %gather3A_502 = tpu.vector_load_idx %arg9[%max3A_501] : memref<2048xi32, #tpu.memory_space<vmem>>[vector<16xi32>], vector<16xi32>,
      %convert_element_type3A_503 = arith.sitofp %gather3A_502 : vector<16xi32> to vector<16xf32>
      %add3A_504 = vector.broadcast %reduce_sum3A_224 : f32 to vector<16xf32>
      %add3A_505 = arith.addf %add3A_504, %gather3A_286 : vector<16xf32>
      %sub3A_506 = arith.subf %add3A_505, %convert_element_type3A_503 : vector<16xf32>
      %max3A_507 = arith.constant 1.000000e+00 : f32
      %max3A_508 = vector.broadcast %max3A_507 : f32 to vector<16xf32>
      %max3A_509 = arith.maximumf %sub3A_506, %max3A_508 : vector<16xf32>
      %div3A_510 = arith.divf %convert_element_type3A_503, %max3A_509 : vector<16xf32>
      %neg3A_511 = arith.constant 0.000000e+00 : f32
      %neg3A_512 = vector.broadcast %neg3A_511 : f32 to vector<16xf32>
      %neg3A_513 = arith.subf %neg3A_512, %div3A_510 : vector<16xf32>
      %jit3A_514 = arith.constant 0x7F800000 : f32
      %broadcast_in_dim3A_515 = vector.broadcast %jit3A_514 : f32 to vector<16xf32>
      %select_n3A_516 = arith.select %and3A_291, %neg3A_513, %broadcast_in_dim3A_515 : vector<16xi1>, vector<16xf32>
      %swap3A_517 = arith.constant 8 : i32
      %swap3A_518 = arith.index_cast %swap3A_517 : i32 to index
      %swap3A_519 = arith.constant 0 : index
      %swap3A_520 = tpu.vector_load %arg10[%swap3A_518, %swap3A_519] {strides = array<i32>} : memref<11x16xf32, #tpu.memory_space<vmem>>, vector<16xf32>,
      tpu.vector_store %arg10[%swap3A_518, %swap3A_519], %select_n3A_516 {strides = array<i32>} : memref<11x16xf32, #tpu.memory_space<vmem>>, vector<16xf32>,
      %add3A_521 = arith.constant 80 : i32
      %add3A_522 = vector.broadcast %add3A_521 : i32 to vector<16xi32>
      %add3A_523 = arith.addi %add3A_522, %iota3A : vector<16xi32>
      %sub3A_524 = arith.constant 1 : i32
      %sub3A_525 = vector.broadcast %sub3A_524 : i32 to vector<16xi32>
      %sub3A_526 = arith.subi %add3A_523, %sub3A_525 : vector<16xi32>
      %max3A_527 = arith.constant 0 : i32
      %max3A_528 = vector.broadcast %max3A_527 : i32 to vector<16xi32>
      %max3A_529 = arith.maxsi %sub3A_526, %max3A_528 : vector<16xi32>
      %gather3A_530 = tpu.vector_load_idx %arg9[%max3A_529] : memref<2048xi32, #tpu.memory_space<vmem>>[vector<16xi32>], vector<16xi32>,
      %convert_element_type3A_531 = arith.sitofp %gather3A_530 : vector<16xi32> to vector<16xf32>
      %add3A_532 = vector.broadcast %reduce_sum3A_242 : f32 to vector<16xf32>
      %add3A_533 = arith.addf %add3A_532, %gather3A_286 : vector<16xf32>
      %sub3A_534 = arith.subf %add3A_533, %convert_element_type3A_531 : vector<16xf32>
      %max3A_535 = arith.constant 1.000000e+00 : f32
      %max3A_536 = vector.broadcast %max3A_535 : f32 to vector<16xf32>
      %max3A_537 = arith.maximumf %sub3A_534, %max3A_536 : vector<16xf32>
      %div3A_538 = arith.divf %convert_element_type3A_531, %max3A_537 : vector<16xf32>
      %neg3A_539 = arith.constant 0.000000e+00 : f32
      %neg3A_540 = vector.broadcast %neg3A_539 : f32 to vector<16xf32>
      %neg3A_541 = arith.subf %neg3A_540, %div3A_538 : vector<16xf32>
      %jit3A_542 = arith.constant 0x7F800000 : f32
      %broadcast_in_dim3A_543 = vector.broadcast %jit3A_542 : f32 to vector<16xf32>
      %select_n3A_544 = arith.select %and3A_291, %neg3A_541, %broadcast_in_dim3A_543 : vector<16xi1>, vector<16xf32>
      %swap3A_545 = arith.constant 9 : i32
      %swap3A_546 = arith.index_cast %swap3A_545 : i32 to index
      %swap3A_547 = arith.constant 0 : index
      %swap3A_548 = tpu.vector_load %arg10[%swap3A_546, %swap3A_547] {strides = array<i32>} : memref<11x16xf32, #tpu.memory_space<vmem>>, vector<16xf32>,
      tpu.vector_store %arg10[%swap3A_546, %swap3A_547], %select_n3A_544 {strides = array<i32>} : memref<11x16xf32, #tpu.memory_space<vmem>>, vector<16xf32>,
      %add3A_549 = arith.constant 90 : i32
      %add3A_550 = vector.broadcast %add3A_549 : i32 to vector<16xi32>
      %add3A_551 = arith.addi %add3A_550, %iota3A : vector<16xi32>
      %sub3A_552 = arith.constant 1 : i32
      %sub3A_553 = vector.broadcast %sub3A_552 : i32 to vector<16xi32>
      %sub3A_554 = arith.subi %add3A_551, %sub3A_553 : vector<16xi32>
      %max3A_555 = arith.constant 0 : i32
      %max3A_556 = vector.broadcast %max3A_555 : i32 to vector<16xi32>
      %max3A_557 = arith.maxsi %sub3A_554, %max3A_556 : vector<16xi32>
      %gather3A_558 = tpu.vector_load_idx %arg9[%max3A_557] : memref<2048xi32, #tpu.memory_space<vmem>>[vector<16xi32>], vector<16xi32>,
      %convert_element_type3A_559 = arith.sitofp %gather3A_558 : vector<16xi32> to vector<16xf32>
      %add3A_560 = vector.broadcast %reduce_sum3A_260 : f32 to vector<16xf32>
      %add3A_561 = arith.addf %add3A_560, %gather3A_286 : vector<16xf32>
      %sub3A_562 = arith.subf %add3A_561, %convert_element_type3A_559 : vector<16xf32>
      %max3A_563 = arith.constant 1.000000e+00 : f32
      %max3A_564 = vector.broadcast %max3A_563 : f32 to vector<16xf32>
      %max3A_565 = arith.maximumf %sub3A_562, %max3A_564 : vector<16xf32>
      %div3A_566 = arith.divf %convert_element_type3A_559, %max3A_565 : vector<16xf32>
      %neg3A_567 = arith.constant 0.000000e+00 : f32
      %neg3A_568 = vector.broadcast %neg3A_567 : f32 to vector<16xf32>
      %neg3A_569 = arith.subf %neg3A_568, %div3A_566 : vector<16xf32>
      %jit3A_570 = arith.constant 0x7F800000 : f32
      %broadcast_in_dim3A_571 = vector.broadcast %jit3A_570 : f32 to vector<16xf32>
      %select_n3A_572 = arith.select %and3A_291, %neg3A_569, %broadcast_in_dim3A_571 : vector<16xi1>, vector<16xf32>
      %swap3A_573 = arith.constant 10 : i32
      %swap3A_574 = arith.index_cast %swap3A_573 : i32 to index
      %swap3A_575 = arith.constant 0 : index
      %swap3A_576 = tpu.vector_load %arg10[%swap3A_574, %swap3A_575] {strides = array<i32>} : memref<11x16xf32, #tpu.memory_space<vmem>>, vector<16xf32>,
      tpu.vector_store %arg10[%swap3A_574, %swap3A_575], %select_n3A_572 {strides = array<i32>} : memref<11x16xf32, #tpu.memory_space<vmem>>, vector<16xf32>,
      %broadcast_in_dim3A_577 = arith.constant 0.000000e+00 : f32
      %broadcast_in_dim3A_578 = vector.broadcast %broadcast_in_dim3A_577 : f32 to vector<16xf32>
      %swap3A_579 = arith.constant 0 : index
      %swap3A_580 = tpu.vector_load %arg11[%swap3A_579] {strides = array<i32>} : memref<16xf32, #tpu.memory_space<vmem>>, vector<16xf32>,
      tpu.vector_store %arg11[%swap3A_579], %broadcast_in_dim3A_578 {strides = array<i32>} : memref<16xf32, #tpu.memory_space<vmem>>, vector<16xf32>,
      %broadcast_in_dim3A_581 = arith.constant 0.000000e+00 : f32
      %broadcast_in_dim3A_582 = vector.broadcast %broadcast_in_dim3A_581 : f32 to vector<16xf32>
      %scan3A = arith.constant 1 : i32
      %scan3A_583 = arith.constant 10 : i32
      %scan3A_584 = arith.addi %scan3A, %scan3A_583 : i32
      %scan3A_585 = arith.constant 1 : i32
      %scan3A_586:3 = scf.for %scan3A_622 = %scan3A to %scan3A_584 step %scan3A_585 iter_args(%scan3A_623 = %broadcast_in_dim3A_31, %scan3A_624 = %broadcast_in_dim3A_31, %scan3A_625 = %broadcast_in_dim3A_582) -> (vector<16xi32>, vector<16xi32>, vector<16xf32>)  : i32 {
        %eq3A_626 = arith.constant 0 : i32
        %eq3A_627 = vector.broadcast %eq3A_626 : i32 to vector<16xi32>
        %eq3A_628 = arith.cmpi eq, %iota3A, %eq3A_627 : vector<16xi32>
        %broadcast_in_dim3A_629 = vector.broadcast %scan3A_622 : i32 to vector<16xi32>
        %select_n3A_630 = arith.select %eq3A_628, %broadcast_in_dim3A_629, %scan3A_623 : vector<16xi1>, vector<16xi32>
        %swap3A_631 = arith.constant 0 : index
        %swap3A_632 = tpu.vector_load %arg12[%swap3A_631] {strides = array<i32>} : memref<16xi32, #tpu.memory_space<vmem>>, vector<16xi32>,
        tpu.vector_store %arg12[%swap3A_631], %select_n3A_630 {strides = array<i32>} : memref<16xi32, #tpu.memory_space<vmem>>, vector<16xi32>,
        %broadcast_in_dim3A_633 = vector.broadcast %scan3A_622 : i32 to vector<16xi32>
        %broadcast_in_dim3A_634 = arith.constant 0x7F800000 : f32
        %broadcast_in_dim3A_635 = vector.broadcast %broadcast_in_dim3A_634 : f32 to vector<16xf32>
        %while3A:6 = scf.while (%while3A_639 = %broadcast_in_dim3A_31, %while3A_640 = %broadcast_in_dim3A_633, %while3A_641 = %scan3A_624, %while3A_642 = %broadcast_in_dim3A_635, %while3A_643 = %broadcast_in_dim3A_31, %while3A_644 = %scan3A_625) : (vector<16xi32>, vector<16xi32>, vector<16xi32>, vector<16xf32>, vector<16xi32>, vector<16xf32>) -> (vector<16xi32>, vector<16xi32>, vector<16xi32>, vector<16xf32>, vector<16xi32>, vector<16xf32>) {
          %reduce_max3A_645 = arith.constant true
          %reduce_max3A_646 = vector.broadcast %reduce_max3A_645 : i1 to vector<16xi1>
          %reduce_max3A_647 = arith.constant -2147483648 : i32
          %reduce_max3A_648 = vector.broadcast %reduce_max3A_647 : i32 to vector<16xi32>
          %reduce_max3A_649 = arith.xori %while3A_640, %reduce_max3A_648 : vector<16xi32>
          %reduce_max3A_650 = tpu.scan <max>, %reduce_max3A_649 masked %reduce_max3A_646 : vector<16xi32>, vector<16xi1> -> vector<16xi32>
          %reduce_max3A_651 = arith.xori %reduce_max3A_650, %reduce_max3A_648 : vector<16xi32>
          %reduce_max3A_652 = vector.extract %reduce_max3A_651[15] : i32 from vector<16xi32>
          %ne3A_653 = arith.constant 0 : i32
          %ne3A_654 = arith.cmpi ne, %reduce_max3A_652, %ne3A_653 : i32
          scf.condition(%ne3A_654) %while3A_639, %while3A_640, %while3A_641, %while3A_642, %while3A_643, %while3A_644 : vector<16xi32>, vector<16xi32>, vector<16xi32>, vector<16xf32>, vector<16xi32>, vector<16xf32>
        } do {
        ^bb0(%while3A_639: vector<16xi32>, %while3A_640: vector<16xi32>, %while3A_641: vector<16xi32>, %while3A_642: vector<16xf32>, %while3A_643: vector<16xi32>, %while3A_644: vector<16xf32>):
          %eq3A_645 = arith.cmpi eq, %iota3A, %while3A_639 : vector<16xi32>
          %jit3A_646 = arith.constant 1 : i32
          %broadcast_in_dim3A_647 = vector.broadcast %jit3A_646 : i32 to vector<16xi32>
          %select_n3A_648 = arith.select %eq3A_645, %broadcast_in_dim3A_647, %while3A_643 : vector<16xi1>, vector<16xi32>
          %ne3A_649 = arith.constant 0 : i32
          %ne3A_650 = vector.broadcast %ne3A_649 : i32 to vector<16xi32>
          %ne3A_651 = arith.cmpi ne, %select_n3A_648, %ne3A_650 : vector<16xi32>
          %gather3A_652 = tpu.vector_load_idx %arg10[%while3A_640, %iota3A] : memref<11x16xf32, #tpu.memory_space<vmem>>[vector<16xi32>, vector<16xi32>], vector<16xf32>,
          %gather3A_653 = tpu.vector_load_idx %arg11[%while3A_640] : memref<16xf32, #tpu.memory_space<vmem>>[vector<16xi32>], vector<16xf32>,
          %sub3A_654 = arith.subf %gather3A_652, %gather3A_653 : vector<16xf32>
          %sub3A_655 = arith.subf %sub3A_654, %while3A_644 : vector<16xf32>
          %not3A = arith.constant dense<true> : vector<16xi1>
          %not3A_656 = arith.xori %ne3A_651, %not3A : vector<16xi1>
          %lt3A_657 = arith.cmpf olt, %sub3A_655, %while3A_642 : vector<16xf32>
          %and3A_658 = arith.andi %not3A_656, %lt3A_657 : vector<16xi1>
          %select_n3A_659 = arith.select %and3A_658, %sub3A_655, %while3A_642 : vector<16xi1>, vector<16xf32>
          %select_n3A_660 = arith.select %and3A_658, %while3A_639, %while3A_641 : vector<16xi1>, vector<16xi32>
          %jit3A_661 = arith.constant 0x7F800000 : f32
          %broadcast_in_dim3A_662 = vector.broadcast %jit3A_661 : f32 to vector<16xf32>
          %select_n3A_663 = arith.select %ne3A_651, %broadcast_in_dim3A_662, %select_n3A_659 : vector<16xi1>, vector<16xf32>
          %reduce_min3A = arith.constant true
          %reduce_min3A_664 = vector.broadcast %reduce_min3A : i1 to vector<16xi1>
          %reduce_min3A_665 = tpu.scan <min>, %select_n3A_663 masked %reduce_min3A_664 : vector<16xf32>, vector<16xi1> -> vector<16xf32>
          %reduce_min3A_666 = vector.extract %reduce_min3A_665[15] : f32 from vector<16xf32>
          %eq3A_667 = vector.broadcast %reduce_min3A_666 : f32 to vector<16xf32>
          %eq3A_668 = arith.cmpf oeq, %select_n3A_663, %eq3A_667 : vector<16xf32>
          %all_reduce_ffs3A = tpu.all_reduce %eq3A_668 {dim = 0 : i64, kind = #tpu.reduction_kind<find_first_set>} : vector<16xi1> -> vector<16xi32>
          %broadcast_in_dim3A_669 = vector.broadcast %reduce_min3A_666 : f32 to vector<16xf32>
          tpu.vector_store_idx %arg11[%select_n3A_630], %broadcast_in_dim3A_669 masked %ne3A_651 {add = true} : memref<16xf32, #tpu.memory_space<vmem>>[vector<16xi32>], vector<16xf32>, vector<16xi1>
          %jit3A_670 = arith.constant 0.000000e+00 : f32
          %broadcast_in_dim3A_671 = vector.broadcast %reduce_min3A_666 : f32 to vector<16xf32>
          %broadcast_in_dim3A_672 = vector.broadcast %jit3A_670 : f32 to vector<16xf32>
          %select_n3A_673 = arith.select %ne3A_651, %broadcast_in_dim3A_671, %broadcast_in_dim3A_672 : vector<16xi1>, vector<16xf32>
          %sub3A_674 = arith.subf %while3A_644, %select_n3A_673 : vector<16xf32>
          %sub3A_675 = vector.broadcast %reduce_min3A_666 : f32 to vector<16xf32>
          %sub3A_676 = arith.subf %select_n3A_659, %sub3A_675 : vector<16xf32>
          %select_n3A_677 = arith.select %ne3A_651, %select_n3A_659, %sub3A_676 : vector<16xi1>, vector<16xf32>
          %gather3A_678 = tpu.vector_load_idx %arg12[%all_reduce_ffs3A] : memref<16xi32, #tpu.memory_space<vmem>>[vector<16xi32>], vector<16xi32>,
          scf.yield %all_reduce_ffs3A, %gather3A_678, %select_n3A_660, %select_n3A_677, %select_n3A_648, %sub3A_674 : vector<16xi32>, vector<16xi32>, vector<16xi32>, vector<16xf32>, vector<16xi32>, vector<16xf32>
        }
        %swap3A_636 = arith.constant 128 : index
        %swap3A_637 = tpu.vector_load %arg9[%swap3A_636] {strides = array<i32>} : memref<2048xi32, #tpu.memory_space<vmem>>, vector<16xi32>,
        tpu.vector_store %arg9[%swap3A_636], %while3A#2 {strides = array<i32>} : memref<2048xi32, #tpu.memory_space<vmem>>, vector<16xi32>,
        %while3A_638:2 = scf.while (%while3A_639 = %select_n3A_630, %while3A_640 = %while3A#0) : (vector<16xi32>, vector<16xi32>) -> (vector<16xi32>, vector<16xi32>) {
          %reduce_max3A_641 = arith.constant true
          %reduce_max3A_642 = vector.broadcast %reduce_max3A_641 : i1 to vector<16xi1>
          %reduce_max3A_643 = arith.constant -2147483648 : i32
          %reduce_max3A_644 = vector.broadcast %reduce_max3A_643 : i32 to vector<16xi32>
          %reduce_max3A_645 = arith.xori %while3A_640, %reduce_max3A_644 : vector<16xi32>
          %reduce_max3A_646 = tpu.scan <max>, %reduce_max3A_645 masked %reduce_max3A_642 : vector<16xi32>, vector<16xi1> -> vector<16xi32>
          %reduce_max3A_647 = arith.xori %reduce_max3A_646, %reduce_max3A_644 : vector<16xi32>
          %reduce_max3A_648 = vector.extract %reduce_max3A_647[15] : i32 from vector<16xi32>
          %ne3A_649 = arith.constant 0 : i32
          %ne3A_650 = arith.cmpi ne, %reduce_max3A_648, %ne3A_649 : i32
          scf.condition(%ne3A_650) %while3A_639, %while3A_640 : vector<16xi32>, vector<16xi32>
        } do {
        ^bb0(%while3A_639: vector<16xi32>, %while3A_640: vector<16xi32>):
          %add3A_641 = arith.constant 128 : i32
          %add3A_642 = vector.broadcast %add3A_641 : i32 to vector<16xi32>
          %add3A_643 = arith.addi %while3A_640, %add3A_642 : vector<16xi32>
          %gather3A_644 = tpu.vector_load_idx %arg9[%add3A_643] : memref<2048xi32, #tpu.memory_space<vmem>>[vector<16xi32>], vector<16xi32>,
          %gather3A_645 = tpu.vector_load_idx %arg12[%gather3A_644] : memref<16xi32, #tpu.memory_space<vmem>>[vector<16xi32>], vector<16xi32>,
          %eq3A_646 = arith.cmpi eq, %iota3A, %while3A_640 : vector<16xi32>
          %select_n3A_647 = arith.select %eq3A_646, %gather3A_645, %while3A_639 : vector<16xi1>, vector<16xi32>
          %swap3A_648 = arith.constant 0 : index
          %swap3A_649 = tpu.vector_load %arg12[%swap3A_648] {strides = array<i32>} : memref<16xi32, #tpu.memory_space<vmem>>, vector<16xi32>,
          tpu.vector_store %arg12[%swap3A_648], %select_n3A_647 {strides = array<i32>} : memref<16xi32, #tpu.memory_space<vmem>>, vector<16xi32>,
          scf.yield %select_n3A_647, %gather3A_644 : vector<16xi32>, vector<16xi32>
        }
        scf.yield %while3A_638#0, %while3A#2, %while3A#5 : vector<16xi32>, vector<16xi32>, vector<16xf32>
      }
      %scan3A_587 = arith.constant 10 : i32
      %swap3A_588 = arith.constant 0 : index
      %swap3A_589 = tpu.vector_load %arg12[%swap3A_588] {strides = array<i32>} : memref<16xi32, #tpu.memory_space<vmem>>, vector<16xi32>,
      tpu.vector_store %arg12[%swap3A_588], %broadcast_in_dim3A_31 {strides = array<i32>} : memref<16xi32, #tpu.memory_space<vmem>>, vector<16xi32>,
      %gt3A_590 = arith.constant 0 : i32
      %gt3A_591 = vector.broadcast %gt3A_590 : i32 to vector<16xi32>
      %gt3A_592 = arith.cmpi sgt, %scan3A_586#0, %gt3A_591 : vector<16xi32>
      %ge3A_593 = arith.constant 1 : i32
      %ge3A_594 = vector.broadcast %ge3A_593 : i32 to vector<16xi32>
      %ge3A_595 = arith.cmpi sge, %iota3A, %ge3A_594 : vector<16xi32>
      %and3A_596 = arith.andi %gt3A_592, %ge3A_595 : vector<16xi1>
      %le3A_597 = arith.constant 10 : i32
      %le3A_598 = vector.broadcast %le3A_597 : i32 to vector<16xi32>
      %le3A_599 = arith.cmpi sle, %iota3A, %le3A_598 : vector<16xi32>
      %and3A_600 = arith.andi %and3A_596, %le3A_599 : vector<16xi1>
      %sub3A_601 = arith.constant 1 : i32
      %sub3A_602 = vector.broadcast %sub3A_601 : i32 to vector<16xi32>
      %sub3A_603 = arith.subi %scan3A_586#0, %sub3A_602 : vector<16xi32>
      %max3A_604 = arith.constant 0 : i32
      %max3A_605 = vector.broadcast %max3A_604 : i32 to vector<16xi32>
      %max3A_606 = arith.maxsi %sub3A_603, %max3A_605 : vector<16xi32>
      %sub3A_607 = arith.constant 1 : i32
      %sub3A_608 = vector.broadcast %sub3A_607 : i32 to vector<16xi32>
      %sub3A_609 = arith.subi %iota3A, %sub3A_608 : vector<16xi32>
      tpu.vector_store_idx %arg12[%max3A_606], %sub3A_609 masked %and3A_600 : memref<16xi32, #tpu.memory_space<vmem>>[vector<16xi32>], vector<16xi32>, vector<16xi1>
      %get3A = arith.constant 0 : index
      %get3A_610 = tpu.vector_load %arg12[%get3A] {strides = array<i32>} : memref<16xi32, #tpu.memory_space<vmem>>, vector<16xi32>,
      %lt3A_611 = vector.broadcast %add3A_279 : i32 to vector<16xi32>
      %lt3A_612 = arith.cmpi slt, %iota3A, %lt3A_611 : vector<16xi32>
      %and3A_613 = arith.andi %lt3A_612, %lt3A_83 : vector<16xi1>
      %jit3A_614 = arith.constant 0 : i32
      %broadcast_in_dim3A_615 = vector.broadcast %jit3A_614 : i32 to vector<16xi32>
      %select_n3A_616 = arith.select %and3A_613, %get3A_610, %broadcast_in_dim3A_615 : vector<16xi1>, vector<16xi32>
      %swap3A_617 = arith.constant 0 : index
      %swap3A_618 = tpu.vector_load %arg12[%swap3A_617] {strides = array<i32>} : memref<16xi32, #tpu.memory_space<vmem>>, vector<16xi32>,
      tpu.vector_store %arg12[%swap3A_617], %select_n3A_616 {strides = array<i32>} : memref<16xi32, #tpu.memory_space<vmem>>, vector<16xi32>,
      "tpu.region"() ({
        %run_scoped3A = tpu.sem_alloc : memref<!tpu.dma_semaphore, #tpu.memory_space<semaphore_mem>>
        %dma_start3A_622 = arith.constant 0 : i32
        %dma_start3A_623 = tpu.memref_slice %arg4[%add3A_30, %dma_start3A_622] : memref<8x16xi32, #tpu.memory_space<hbm>> -> memref<1x16xi32, #tpu.memory_space<hbm>>
        %dma_start3A_624 = tpu.memref_squeeze %dma_start3A_623 : memref<1x16xi32, #tpu.memory_space<hbm>> -> memref<16xi32, #tpu.memory_space<hbm>>
        %dma_start3A_625 = arith.constant 0 : i32
        %dma_start3A_626 = tpu.memref_slice %arg4[%add3A_30, %dma_start3A_625] : memref<8x16xi32, #tpu.memory_space<hbm>> -> memref<1x16xi32, #tpu.memory_space<hbm>>
        %dma_start3A_627 = tpu.memref_squeeze %dma_start3A_626 : memref<1x16xi32, #tpu.memory_space<hbm>> -> memref<16xi32, #tpu.memory_space<hbm>>
        tpu.enqueue_dma source(%arg12 : memref<16xi32, #tpu.memory_space<vmem>>) target(%dma_start3A_627 : memref<16xi32, #tpu.memory_space<hbm>>) target_semaphore(%run_scoped3A : memref<!tpu.dma_semaphore, #tpu.memory_space<semaphore_mem>>)
        %dma_wait3A_628 = arith.constant 0 : i32
        %dma_wait3A_629 = tpu.memref_slice %arg4[%add3A_30, %dma_wait3A_628] : memref<8x16xi32, #tpu.memory_space<hbm>> -> memref<1x16xi32, #tpu.memory_space<hbm>>
        %dma_wait3A_630 = tpu.memref_squeeze %dma_wait3A_629 : memref<1x16xi32, #tpu.memory_space<hbm>> -> memref<16xi32, #tpu.memory_space<hbm>>
        %dma_wait3A_631 = arith.constant 0 : i32
        %dma_wait3A_632 = tpu.memref_slice %arg4[%add3A_30, %dma_wait3A_631] : memref<8x16xi32, #tpu.memory_space<hbm>> -> memref<1x16xi32, #tpu.memory_space<hbm>>
        %dma_wait3A_633 = tpu.memref_squeeze %dma_wait3A_632 : memref<1x16xi32, #tpu.memory_space<hbm>> -> memref<16xi32, #tpu.memory_space<hbm>>
        tpu.wait_dma2 semaphore(%run_scoped3A : memref<!tpu.dma_semaphore, #tpu.memory_space<semaphore_mem>>) src(%arg12 : memref<16xi32, #tpu.memory_space<vmem>>) dst(%dma_wait3A_633 : memref<16xi32, #tpu.memory_space<hbm>>)
        tpu.yield
      }) : () -> ()
      %broadcast_in_dim3A_619 = vector.broadcast %add3A_279 : i32 to vector<16xi32>
      %swap3A_620 = arith.constant 0 : index
      %swap3A_621 = tpu.vector_load %arg12[%swap3A_620] {strides = array<i32>} : memref<16xi32, #tpu.memory_space<vmem>>, vector<16xi32>,
      tpu.vector_store %arg12[%swap3A_620], %broadcast_in_dim3A_619 {strides = array<i32>} : memref<16xi32, #tpu.memory_space<vmem>>, vector<16xi32>,
      "tpu.region"() ({
        %run_scoped3A = tpu.sem_alloc : memref<!tpu.dma_semaphore, #tpu.memory_space<semaphore_mem>>
        %dma_start3A_622 = arith.constant 0 : i32
        %dma_start3A_623 = tpu.memref_slice %arg5[%add3A_30, %dma_start3A_622] : memref<8x16xi32, #tpu.memory_space<hbm>> -> memref<1x16xi32, #tpu.memory_space<hbm>>
        %dma_start3A_624 = tpu.memref_squeeze %dma_start3A_623 : memref<1x16xi32, #tpu.memory_space<hbm>> -> memref<16xi32, #tpu.memory_space<hbm>>
        %dma_start3A_625 = arith.constant 0 : i32
        %dma_start3A_626 = tpu.memref_slice %arg5[%add3A_30, %dma_start3A_625] : memref<8x16xi32, #tpu.memory_space<hbm>> -> memref<1x16xi32, #tpu.memory_space<hbm>>
        %dma_start3A_627 = tpu.memref_squeeze %dma_start3A_626 : memref<1x16xi32, #tpu.memory_space<hbm>> -> memref<16xi32, #tpu.memory_space<hbm>>
        tpu.enqueue_dma source(%arg12 : memref<16xi32, #tpu.memory_space<vmem>>) target(%dma_start3A_627 : memref<16xi32, #tpu.memory_space<hbm>>) target_semaphore(%run_scoped3A : memref<!tpu.dma_semaphore, #tpu.memory_space<semaphore_mem>>)
        %dma_wait3A_628 = arith.constant 0 : i32
        %dma_wait3A_629 = tpu.memref_slice %arg5[%add3A_30, %dma_wait3A_628] : memref<8x16xi32, #tpu.memory_space<hbm>> -> memref<1x16xi32, #tpu.memory_space<hbm>>
        %dma_wait3A_630 = tpu.memref_squeeze %dma_wait3A_629 : memref<1x16xi32, #tpu.memory_space<hbm>> -> memref<16xi32, #tpu.memory_space<hbm>>
        %dma_wait3A_631 = arith.constant 0 : i32
        %dma_wait3A_632 = tpu.memref_slice %arg5[%add3A_30, %dma_wait3A_631] : memref<8x16xi32, #tpu.memory_space<hbm>> -> memref<1x16xi32, #tpu.memory_space<hbm>>
        %dma_wait3A_633 = tpu.memref_squeeze %dma_wait3A_632 : memref<1x16xi32, #tpu.memory_space<hbm>> -> memref<16xi32, #tpu.memory_space<hbm>>
        tpu.wait_dma2 semaphore(%run_scoped3A : memref<!tpu.dma_semaphore, #tpu.memory_space<semaphore_mem>>) src(%arg12 : memref<16xi32, #tpu.memory_space<vmem>>) dst(%dma_wait3A_633 : memref<16xi32, #tpu.memory_space<hbm>>)
        tpu.yield
      }) : () -> ()
    } else {
    }
    return
  }
}

module attributes {stable_mosaic.version = 14 : i64} {
  func.func @_bcast_body(%arg0: i32, %arg1: memref<8x16xi32, #tpu.memory_space<vmem>>, %arg2: memref<8x16xi32, #tpu.memory_space<vmem>>, %arg3: memref<10x8x8192xi32, #tpu.memory_space<vmem>>, %arg4: memref<8xi32, #tpu.memory_space<vmem>>) attributes {dimension_semantics = [#tpu.dimension_semantics<arbitrary>], iteration_bounds = array<i64: 4>, scalar_prefetch = 0 : i64, scratch_operands = 0 : i64, tpu.core_type = #tpu.core_type<tc>, window_params = [{pipeline_mode = #tpu.pipeline_mode<synchronous>, transform_indices = @transform_0, window_bounds = array<i64: 8, 16>}, {pipeline_mode = #tpu.pipeline_mode<synchronous>, transform_indices = @transform_1, window_bounds = array<i64: 8, 16>}, {transform_indices = @transform_2, window_bounds = array<i64: 10, 8, 8192>}, {pipeline_mode = #tpu.pipeline_mode<synchronous>, transform_indices = @transform_3, window_bounds = array<i64: 8>}]} {
    %get3A = arith.constant 0 : index
    %get3A_0 = arith.constant 0 : index
    %get3A_1 = vector.load %arg1[%get3A, %get3A_0] : memref<8x16xi32, #tpu.memory_space<vmem>>, vector<8x16xi32>
    %transpose3A = tpu.transpose %get3A_1, [1, 0] : vector<8x16xi32> -> vector<16x8xi32>
    %slice3A = vector.extract_strided_slice %transpose3A {offsets = [0, 0], sizes = [10, 8], strides = [1, 1]} : vector<16x8xi32> to vector<10x8xi32>
    %broadcast_in_dim3A = vector.shape_cast %slice3A : vector<10x8xi32> to vector<10x8x1xi32>
    %broadcast_in_dim3A_2 = vector.shape_cast %broadcast_in_dim3A : vector<10x8x1xi32> to vector<10x8x1xi32>
    %broadcast_in_dim3A_3 = vector.broadcast %broadcast_in_dim3A_2 : vector<10x8x1xi32> to vector<10x8x8192xi32>
    %swap3A = arith.constant 0 : index
    %swap3A_4 = arith.constant 0 : index
    %swap3A_5 = arith.constant 0 : index
    %swap3A_6 = vector.load %arg3[%swap3A, %swap3A_4, %swap3A_5] : memref<10x8x8192xi32, #tpu.memory_space<vmem>>, vector<10x8x8192xi32>
    tpu.vector_store %arg3[%swap3A, %swap3A_4, %swap3A_5], %broadcast_in_dim3A_3 {strides = array<i32>} : memref<10x8x8192xi32, #tpu.memory_space<vmem>>, vector<10x8x8192xi32>,
    %eq3A = arith.constant 0 : i32
    %eq3A_7 = arith.cmpi eq, %arg0, %eq3A : i32
    %convert_element_type3A = arith.extui %eq3A_7 : i1 to i32
    %cond3A = arith.constant 0 : i32
    %cond3A_8 = arith.cmpi ne, %convert_element_type3A, %cond3A : i32
    scf.if %cond3A_8 {
      %get3A_9 = arith.constant 0 : index
      %get3A_10 = arith.constant 0 : index
      %get3A_11 = vector.load %arg2[%get3A_9, %get3A_10] : memref<8x16xi32, #tpu.memory_space<vmem>>, vector<8x16xi32>
      %transpose3A_12 = tpu.transpose %get3A_11, [1, 0] : vector<8x16xi32> -> vector<16x8xi32>
      %slice3A_13 = vector.extract_strided_slice %transpose3A_12 {offsets = [0, 0], sizes = [1, 8], strides = [1, 1]} : vector<16x8xi32> to vector<1x8xi32>
      %squeeze3A = vector.shape_cast %slice3A_13 : vector<1x8xi32> to vector<8xi32>
      %swap3A_14 = arith.constant 0 : index
      %swap3A_15 = vector.load %arg4[%swap3A_14] : memref<8xi32, #tpu.memory_space<vmem>>, vector<8xi32>
      tpu.vector_store %arg4[%swap3A_14], %squeeze3A {strides = array<i32>} : memref<8xi32, #tpu.memory_space<vmem>>, vector<8xi32>,
    } else {
    }
    return
  }
  func.func @transform_0(%arg0: i32) -> (i32, i32) {
    %c0_i32 = arith.constant 0 : i32
    %c0_i32_0 = arith.constant 0 : i32
    %c0_i32_1 = arith.constant 0 : i32
    return %c0_i32, %c0_i32_0 : i32, i32
  }
  func.func @transform_1(%arg0: i32) -> (i32, i32) {
    %c0_i32 = arith.constant 0 : i32
    %c0_i32_0 = arith.constant 0 : i32
    %c0_i32_1 = arith.constant 0 : i32
    return %c0_i32, %c0_i32_0 : i32, i32
  }
  func.func @transform_2(%arg0: i32) -> (i32, i32, i32) {
    %c0_i32 = arith.constant 0 : i32
    %c0_i32_0 = arith.constant 0 : i32
    %c0_i32_1 = arith.constant 0 : i32
    return %c0_i32, %c0_i32_0, %arg0 : i32, i32, i32
  }
  func.func @transform_3(%arg0: i32) -> i32 {
    %c0_i32 = arith.constant 0 : i32
    %c0_i32_0 = arith.constant 0 : i32
    return %c0_i32 : i32
  }
}

</mosaic_0001>

<sc_bundles>
// kernel: kernel.4.cloned.1.call-start
scs
__scs_entry_jumppad:
0x0: {  	(pc) =	sbr.rel $0x88, $3  }
0x1: {  	(tag) =	ssettag $0x0;
	lr =	simm.s32 $0x1  }
0x2: {  	[smem:$0x3F9F] =	sst lr;
	_ =	strace $0xD0000000  }
0x3: {  	_ = 	snop  }
0x4: {  	_ = 	snop  }
0x5: {  	_ = 	snop  }
0x6: {  	_ = 	snop  }
0x7: {  	_ = 	snop  }
__scs_overlays_trampoline_lowered:
0x8: {  	[smem:$0x3FAE] =	sst s0  }
0x9: {  	[smem:$0x3FAF] =	sst s1  }
0xa: {  	[smem:$0x3FB0] =	sst s2  }
0xb: {  	[smem:$0x3FB1] =	sst s3  }
0xc: {  	[smem:$0x3FB2] =	sst s4  }
0xd: {  	[smem:$0x3FB3] =	sst s5  }
0xe: {  	[smem:$0x3FB4] =	sst s6  }
0xf: {  	[smem:$0x3FB5] =	sst s7  }
0x10: {  	[smem:$0x3FB6] =	sst s8  }
0x11: {  	[smem:$0x3FB7] =	sst s9;
	s0 =	simm.s32 @!p0 $0x0  }
0x12: {  	s1 =	sld [smem:$0x3F9D];
	s0 =	simm.s32 @p0 $0x1  }
0x13: {  	[smem:$0x3FB8] =	sst s0;
	s0 =	simm.s32 @!p1 $0x0  }
0x14: {  	s2 =	sld [smem:$0x3F9C];
	s0 =	simm.s32 @p1 $0x1  }
0x15: {  	[smem:$0x3FB9] =	sst s0;
	s0 =	simm.s32 @!p2 $0x0  }
0x16: {  	s3 =	sld [smem:$0x3FDB];
	s0 =	simm.s32 @p2 $0x1  }
0x17: {  	s4 =	simm.s32 $0x1BF5;
	[smem:$0x3FBB] =	sst s0  }
0x18: {  	s0 =	sld [smem:$0x3F9E];
	_ =	swait.ge [sflag:s4], $0x0  }
0x19: {  	s7 =	sld [smem:$0x3F9F]  }
0x1a: {  	s8 =	sadd.s32 $0xFFFFE003, lr  }
0x1b: {  	s9 =	sadd.s32 $0xFFFFFEF7, lr;
	s5 =	simm.s32 $0xFFFFFFFF;
	p2 =	slt.u32 s8, $0xFFFFF086  }
0x1c: {  	p1 =	slt.u32 s9, $0xF7A;
	s5 =	simm.s32 @!p2 $0x0  }
0x1d: {  	s5 =	simm.s32 @p1 $0x1;
	p0 =	seq.s32 s7, s2  }
0x1e: {  	s7 =	smul.u32 @!p0 $0xF7A, s2;
	p2 =	seq.s32 @!p0 s5, $0x0  }
0x1f: {  	s9 =	smul.u32 $0xF7A, s1;
	s8 =	simm.s32 @!p0 $0x1BF5;
	p2 =	por !p2, p0  }
0x20: {  	[sflag:s8] =	ssyncset.s32 @!p0 $0xFFFFF086;
	s6 =	sadd.s32 @!p0 s3, s7;
	s7 =	simm.s32 @!p0 $0x108  }
0x21: {  	s3 =	sadd.s32 s3, s9;
	s6 =	sadd.s32 @!p0 $0x88, s6;
	s7 =	simm.s32 @p2 $0x1082  }
0x22: {  	[simem:s7], [sflag:s8] =	dma.local @!p0 [hbm:s6], $0xF7A  }
0x23: {  	s9 =	sor.u32 $0xD0000000, s2;
	s6 =	simm.s32 $0x108;
	_ =	swait.ge @!p0 [sflag:s8], $0x0  }
0x24: {  	s3 =	sadd.s32 $0x88, s3;
	s6 =	simm.s32 @!p1 $0x1082;
	[sflag:s4] =	ssyncset.s32 $0xFFFFF086  }
0x25: {  	[simem:s6], [sflag:s4] =	dma.local [hbm:s3], $0xF7A  }
0x26: {  	[smem:$0x3F9F] =	sst s1;
	(tag) =	ssettag s2;
	_ =	strace s9  }
0x27: {  	s1 =	sld [smem:$0x3FAF]  }
0x28: {  	s2 =	sld [smem:$0x3FB0]  }
0x29: {  	s4 =	sld [smem:$0x3FB2]  }
0x2a: {  	p0 =	seq.s32 s5, $0x0;
	s5 =	sld [smem:$0x3FB3]  }
0x2b: {  	s6 =	sld [smem:$0x3FB4]  }
0x2c: {  	s7 =	sld [smem:$0x3FB5]  }
0x2d: {  	s3 =	simm.s32 $0x108;
	s8 =	sld [smem:$0x3FB6]  }
0x2e: {  	s3 =	simm.s32 @!p0 $0x1082;
	s9 =	sld [smem:$0x3FB7]  }
0x2f: {  	lr =	sadd.s32 s0, s3;
	s0 =	sld [smem:$0x3FAE]  }
0x30: {  	s3 =	sld [smem:$0x3FB1]  }
0x31: {  	[smem:$0x3FBA] =	sst s10  }
0x32: {  	s10 =	sld [smem:$0x3FB8];
	_ =	sdelay $0x3  }
0x33: {  	p0 =	seq.s32 s10, $0x1;
	s10 =	sld [smem:$0x3FBA];
	_ =	sdelay $0x3  }
0x34: {  	[smem:$0x3FBA] =	sst s10  }
0x35: {  	s10 =	sld [smem:$0x3FB9];
	_ =	sdelay $0x3  }
0x36: {  	p1 =	seq.s32 s10, $0x1;
	s10 =	sld [smem:$0x3FBA];
	_ =	sdelay $0x3  }
0x37: {  	[smem:$0x3FBA] =	sst s10  }
0x38: {  	s10 =	sld [smem:$0x3FBB]  }
0x39: {  	_ = 	snop;
	(pc) =	sbr.ind lr, $3  }
0x3a: {  	_ = 	snop  }
0x3b: {  	_ = 	snop  }
0x3c: {  	p2 =	seq.s32 s10, $0x1;
	s10 =	sld [smem:$0x3FBA]  }
0x3d: {  	_ =	shalt  }
0x3e: {  	_ =	shalt  }
0x3f: {  	_ =	shalt  }
0x40: {  	_ =	shalt  }
0x41: {  	_ =	shalt  }
0x42: {  	_ =	shalt  }
0x43: {  	_ =	shalt  }
0x44: {  	_ =	shalt  }
0x45: {  	_ =	shalt  }
0x46: {  	_ =	shalt  }
0x47: {  	_ =	shalt  }
0x48: {  	_ =	shalt  }
0x49: {  	_ =	shalt  }
0x4a: {  	_ =	shalt  }
0x4b: {  	_ =	shalt  }
0x4c: {  	_ =	shalt  }
0x4d: {  	_ =	shalt  }
0x4e: {  	_ =	shalt  }
0x4f: {  	_ =	shalt  }
0x50: {  	_ =	shalt  }
0x51: {  	_ =	shalt  }
0x52: {  	_ =	shalt  }
0x53: {  	_ =	shalt  }
0x54: {  	_ =	shalt  }
0x55: {  	_ =	shalt  }
0x56: {  	_ =	shalt  }
0x57: {  	_ =	shalt  }
0x58: {  	_ =	shalt  }
0x59: {  	_ =	shalt  }
0x5a: {  	_ =	shalt  }
0x5b: {  	_ =	shalt  }
0x5c: {  	_ =	shalt  }
0x5d: {  	_ =	shalt  }
0x5e: {  	_ =	shalt  }
0x5f: {  	_ =	shalt  }
0x60: {  	_ =	shalt  }
0x61: {  	_ =	shalt  }
0x62: {  	_ =	shalt  }
0x63: {  	_ =	shalt  }
0x64: {  	_ =	shalt  }
0x65: {  	_ =	shalt  }
0x66: {  	_ =	shalt  }
0x67: {  	_ =	shalt  }
0x68: {  	_ =	shalt  }
0x69: {  	_ =	shalt  }
0x6a: {  	_ =	shalt  }
0x6b: {  	_ =	shalt  }
0x6c: {  	_ =	shalt  }
0x6d: {  	_ =	shalt  }
0x6e: {  	_ =	shalt  }
0x6f: {  	_ =	shalt  }
0x70: {  	_ =	shalt  }
0x71: {  	_ =	shalt  }
0x72: {  	_ =	shalt  }
0x73: {  	_ =	shalt  }
0x74: {  	_ =	shalt  }
0x75: {  	_ =	shalt  }
0x76: {  	_ =	shalt  }
0x77: {  	_ =	shalt  }
0x78: {  	_ =	shalt  }
0x79: {  	_ =	shalt  }
0x7a: {  	_ =	shalt  }
0x7b: {  	_ =	shalt  }
0x7c: {  	_ =	shalt  }
0x7d: {  	_ =	shalt  }
0x7e: {  	_ =	shalt  }
0x7f: {  	_ =	shalt  }
0x80: {  	_ =	shalt  }
0x81: {  	_ =	shalt  }
0x82: {  	_ =	shalt  }
0x83: {  	_ =	shalt  }
0x84: {  	_ =	shalt  }
0x85: {  	_ =	shalt  }
0x86: {  	_ =	shalt  }
0x87: {  	_ =	shalt  }
.Lfunc_end0:
.L_simem_size_0:
called_computation_lowered:
.L_overlay_start_0:
0x88: {  	s2 =	sld [smem:$0x3FD9]  }
0x89: {  	s3 =	sld [smem:$0x3FFE];
	_ =	sdelay $0x1  }
0x8a: {  	s1 =	srdreg.scid  }
0x8b: {  	s0 =	sand.u32 $0x1, s1  }
0x8c: {  	s14 =	sshll.u32 s0, $0xA;
	s2 =	sadd.s32 s3, s2  }
0x8d: {  	s2 =	sadd.s32 s2, s14  }
0x8e: {  	[smem:$0x3FC6] =	sst s2  }
0x8f: {  	_ = 	snop  }
0x90: {  	s2 =	sld [smem:$0x3FD0];
	_ =	sdelay $0x1  }
0x91: {  	s15 =	sld [smem:$0x3FC9]  }
0x92: {  	s5 =	simm.s32 $0xA;
	s6 =	simm.s32 $0x10;
	s4 =	sld [smem:$0x3FC8]  }
0x93: {  	[smem:s6], [sflag:s5] =	dma.local [hbm:s2], $0x1  }
0x94: {  	_ =	swait.eq [sflag:s5], $0x1  }
0x95: {  	[sflag:s5] =	ssyncset.done $0x0  }
0x96: {  	[sflag:s5] =	ssyncadd.s32 $0xFFFFFFFF  }
0x97: {  	s16 =	sld [smem:$0x10];
	(tm) =	ssettm $0x1  }
0x98: {  	s17 =	sld [smem:$0x3FFB];
	_ =	sdelay $0x3  }
0x99: {  	_ =	strace s17  }
0x9a: {  	s5 =	sld [smem:$0x3FFC];
	_ =	sdelay $0x3  }
0x9b: {  	_ =	strace s5  }
0x9c: {  	s5 =	sld [smem:$0x3FFD];
	_ =	sdelay $0x3  }
0x9d: {  	_ =	strace s5  }
0x9e: {  	_ =	strace $0x8FFFFFFF  }
0x9f: {  	s18 =	sld [smem:$0x3FDB];
	_ =	sdelay $0x1  }
0xa0: {  	s19 =	simm.s32 $_scs_section_size  }
0xa1: {  	s7 =	simm.s32 $_size__tile_overlayer_lowered;
	s8 =	simm.s32 $_tile_overlayer_lowered  }
0xa2: {  	s22 =	simm.s32 $0x1BFF;
	s21 =	sshll.u32 s8, $0x1;
	s5 =	sadd.s32 s19, s18  }
0xa3: {  	s9 =	simm.s32 $0x0;
	s20 =	sshll.u32 s7, $0x1;
	s7 =	sadd.s32 s21, s5  }
0xa4: {  	[timem:s9], [sflag:s22] =	dma.local [hbm:s7], s20  }
0xa5: {  	_ =	swait.ge [sflag:s22], s20  }
0xa6: {  	s6 =	ssub.s32 $0x0, s20;
	[sflag:s22] =	ssyncset.done $0x0  }
0xa7: {  	[sflag:s22] =	ssyncadd.s32 s6;
	_ =	sdelay $0x1  }
0xa8: {  	s23 =	simm.s32 $0x1B8B  }
0xa9: {  	_ =	swait.ge [sflag:s23], $0x1  }
0xaa: {  	[sflag:s23] =	ssyncset.done $0x0  }
0xab: {  	s25 =	simm.s32 $0x1B8E;
	s24 =	sld [smem:$0x3FFE];
	[sflag:s23] =	ssyncadd.s32 $0xFFFFFFFF  }
0xac: {  	s26 =	simm.s32 $execute0_lowered;
	[smem:$0x3FD2] =	sst s25  }
0xad: {  	s7 =	sshll.u32 s26, $0x1;
	_ =	strace $0x80000046;
	[dreg:$0x1] =	wrdreg $0xFFFFFFFF  }
0xae: {  	s28 =	simm.s32 $_size_execute0_lowered;
	s5 =	sadd.s32 s5, s7;
	[dreg:$0x0] =	wrdreg $0x0  }
0xaf: {  	s7 =	sshll.u32 s28, $0x1;
	[dreg:$0x2] =	wrdreg s5  }
0xb0: {  	[dreg:$0x3] =	wrdreg s7  }
0xb1: {  	[dreg:$0x4] =	wrdreg $0xC0  }
0xb2: {  	_ =	task [dreg:s9], $0x5FFFF  }
0xb3: {  	[dreg:$0x1] =	wrdreg $0xFFFFFFFF  }
0xb4: {  	[dreg:$0x0] =	wrdreg $0x60  }
0xb5: {  	[dreg:$0x2] =	wrdreg s15  }
0xb6: {  	[dreg:$0x3] =	wrdreg s4  }
0xb7: {  	[dreg:$0x4] =	wrdreg s16  }
0xb8: {  	[dreg:$0x5] =	wrdreg s24  }
0xb9: {  	[dreg:$0x6] =	wrdreg $0x59000  }
0xba: {  	[dreg:$0x7] =	wrdreg $0x9  }
0xbb: {  	_ =	task.clear_ibuf [dreg:s9], $0x8FFFF;
	_ =	strace $0x90000046  }
0xbc: {  	s29 =	simm.s32 $0x9;
	_ =	strace $0x80000048  }
0xbd: {  	_ =	swait.ge [sflag:s29], $0x1  }
0xbe: {  	[sflag:s29] =	ssyncadd.s32 $0xFFFFFFFF  }
0xbf: {  	_ =	strace $0x90000048  }
0xc0: {  	_ =	sfence  }
0xc1: {  	s30 =	sld [smem:$0x0];
	_ =	sdelay $0x2  }
0xc2: {  	s31 =	sshll.u32 s1, $0xD;
	s1 =	sshrl.u32 s1, $0x2  }
0xc3: {  	s3 =	sand.u32 $0x4000, s31;
	s1 =	sadd.s32 s1, s30  }
0xc4: {  	s0 =	sor.u32 s3, s0;
	s1 =	sshll.u32 s1, $0x11  }
0xc5: {  	s0 =	sor.u32 s1, s0  }
0xc6: {  	s0 =	sadd.s32 $0x8F2B, s0  }
0xc7: {  	[sflag:s0] =	ssyncadd.remote.s32 $0x1  }
0xc8: {  	_ =	sfence.sel $0xFFFF  }
0xc9: {  	[dreg:$0x0] =	wrdreg $0xFFFFFFFF;
	(pc) =	sbr.abs _section_cstart, $3  }
0xca: {  	[dreg:$0x1] =	wrdreg $0xFFFFFFFF  }
0xcb: {  	_ =	task.clear_ibuf [dreg:s9], $0x2FFFF;
	_ =	strace $0x9FFFFFFF  }
0xcc: {  	(tm) =	ssettm $0x7FFFFFFF  }
0xcd: {  	_ =	shalt  }
tec
execute0_lowered:
.L_overlay_start_1:
0x0: {  	(tag) =	ssettag $0x1  }
0x1: {  	s4 =	rddreg [dreg:$0x0]  }
0x2: {  	s3 =	rddreg [dreg:$0x1]  }
0x3: {  	s9 =	rddreg [dreg:$0x2]  }
0x4: {  	s5 =	rddreg [dreg:$0x3]  }
0x5: {  	s6 =	rddreg [dreg:$0x4]  }
0x6: {  	s2 =	srdreg.scid;
	s1 =	stileid.u32  }
0x7: {  	s0 =	rddreg [dreg:$0x5];
	v0 =	vlaneseq.u32;
	s14 =	simm.s32 $0x2000;
	s15 =	simm.s32 $0x1  }
0x8: {  	v1 =	vimm.s32 $0x0;
	v4 =	vimm.s32 $0xEDCBA987;
	v5 =	vimm.s32 $0x65432100;
	s16 =	simm.s32 $0x2;
	s17 =	simm.s32 $0x4000;
	s19 =	simm.s32 $0x4800  }
0x9: {  	v3 =	vimm.s32 $0x1;
	vm0 =	vmmov $0x3ff;
	vm1 =	vcmask $0x32C;
	s20 =	simm.s32 $0x5800;
	s21 =	simm.s32 $0x5880;
	s22 =	simm.s32 $0x5000  }
0xa: {  	vm2 =	vmmov $0x1;
	vm3 =	vcmask $0x328;
	vm4 =	vcmask $0x728;
	s23 =	simm.s32 $0x0;
	s7 =	sand.u32 $0x1, s2;
	s8 =	sshll.u32 s1, $0x5  }
0xb: {  	vm5 =	vcmask $0xB28;
	vm6 =	vcmask $0xF28;
	vm7 =	vcmask $0x1328;
	s2 =	simm.s32 $0x0;
	s18 =	sand.u32 $0x3, s1;
	s29 =	sshll.u32 s1, $0xB  }
0xc: {  	vm8 =	vcmask $0x1728;
	vm9 =	vcmask $0x1B28;
	vm10 =	vcmask $0x1F28;
	s30 =	sshll.u32 s1, $0x7;
	s10 =	sshll.u32 s7, $0x9;
	s8 =	sand.u32 $0x180, s8  }
0xd: {  	vm11 =	vcmask $0x2328;
	vm12 =	vcmask $0x2B04;
	v2 =	vmul.u32 $0x80, v0;
	[smem:$0x7FF] =	sst s2;
	s7 =	ssub.s32 $0x2, s7;
	s28 =	sshll.u32 s18, $0x10  }
0xe: {  	v7 =	vunpack.c.l.s4.s8 v4;
	v4 =	vadd.s32 $0xA, v0;
	v9 =	vunpack.c.l.s4.s8 v5;
	s31 =	sand.u32 $0x200, s30;
	p0 =	sne.s32 s18, $0x0;
	s18 =	simm.s32 $0x3  }
0xf: {  	v5 =	vadd.s32 $0x14, v0;
	v6 =	vadd.s32 $0x1E, v0;
	v8 =	vadd.s32 $0x32, v0;
	s8 =	sor.u32 s10, s8;
	_ =	strace $0x80000047;
	s26 =	sshrl.u32 s7, $0x1  }
0x10: {  	v10 =	vadd.s32 $0x46, v0;
	v12 =	vadd.s32 $0x5A, v0;
	v15 =	vadd.s32 $0x9, v0;
	s10 =	sshrl.u32 s8, $0x3;
	s12 =	ssub.s32 s7, s26;
	s7 =	sand.u32 $0x4000, s29  }
0x11: {  	v16 =	vadd.s32 $0x13, v0;
	v17 =	vadd.s32 $0x1D, v0;
	v18 =	vadd.s32 $0x27, v0;
	s11 =	sadd.s32 s10, s5;
	s5 =	sor.u32 s28, s8;
	s6 =	sadd.s32 s7, s6  }
.Ltmp0:
0x12: {  	v19 =	vadd.s32 $0x31, v0;
	v20 =	vadd.s32 $0x3B, v0;
	v21 =	vadd.s32 $0x45, v0;
	s8 =	sand.u32 $0x380, s30;
	s9 =	sadd.s32 s9, s10;
	(pc) =	sbr.rel .LBB2_1-.Ltmp0, $4  }
0x13: {  	v22 =	vadd.s32 $0x4F, v0;
	v23 =	vadd.s32 $0x59, v0;
	v11 =	vunpack.c.0.s8.s32 v7;
	s5 =	sshrl.u32 s5, $0x3;
	s13 =	sadd.s32 s31, s6;
	s10 =	sadd.s32 $0xE00, s11  }
0x14: {  	v24 =	vor.u32 $0x80000000, v0;
	v25 =	vadd.s32 $0xFFFFFFFF, v0;
	v13 =	vunpack.c.0.s8.s32 v9;
	s11 =	smax.u32 s12, $0x1;
	s12 =	simm.s32 $0x80;
	s3 =	sadd.s32 s3, s5  }
0x15: {  	v7 =	vadd.s32 $0x28, v0;
	v9 =	vadd.s32 $0x3C, v0;
	v14 =	vand.u32 $0xF, v11;
	s4 =	sadd.s32 s4, s5;
	s5 =	sadd.s32 s8, s6;
	s6 =	sadd.s32 $0x80, s13  }
0x16: {  	v11 =	vor.u32 $0x50, v0;
	v13 =	vcombine.low v13, v14;
	v14 =	vimm.f32 $+Inf;
	s7 =	sadd.s32 $0x100, s13;
	s8 =	sadd.s32 $0x180, s13;
	s13 =	simm.s32 $0x400  }
.LBB2_20:
0x17: {  	v26 =	vnsel vm2, $0x0, v26  }
0x18: {  	v26 =	vsel vm3, v26, v27  }
0x19: {  	v26 =	vsel vm4, v26, v28  }
0x1a: {  	v26 =	vsel vm5, v26, v29  }
0x1b: {  	v26 =	vsel vm6, v26, v30  }
0x1c: {  	v26 =	vsel vm7, v26, v31  }
0x1d: {  	v26 =	vsel vm8, v26, v32  }
0x1e: {  	v26 =	vsel vm9, v26, v33  }
0x1f: {  	v26 =	vsel vm10, v26, v35  }
0x20: {  	v26 =	vsel vm11, v26, v36  }
0x21: {  	vm13 =	vgt.f32 v26, $0.0e+00  }
0x22: {  	v26 =	vnsel vm13, $0x80000000, v24  }
0x23: {  	(xrf0) =	vmax.scan.msk.u32 $0xffff, v26;
	_ =	sdelay $0x5  }
0x24: {  	v26, _, _ =	vpop (xrf0)  }
0x25: {  	(v2sf) =	vpush v26, $0xF;
	_ =	sdelay $0x6  }
0x26: {  	vm13 =	vgt.s32 v34, $0x0;
	v26 =	vadd.s32 $0xFFFFFFFF, v34  }
0x27: {  	vm13 =	vmand vm13, vm12;
	vm14 =	vgt.s32 v26, $0x0  }
0x28: {  	v26 =	vnsel vm14, $0x0, v26;
	_ =	sdelay $0x3  }
0x29: {  	[tilespmem:$0x5880] =	vst v1  }
0x2a: {  	[tilespmem:v26+s21+$0x0] =	vst.idx.msk vm13, v25  }
0x2b: {  	v26 =	vld [tilespmem:$0x5880];
	s24 =	spop (v2sf)  }
0x2c: {  	s24 =	sadd.s32 $0x80000001, s24  }
0x2d: {  	v27 =	vmov s24  }
0x2e: {  	vm13 =	vgt.s32 v27, v0  }
0x2f: {  	vm13 =	vmand vm13, vm0  }
0x30: {  	v26 =	vnsel vm13, $0x0, v26  }
0x31: {  	[tilespmem:$0x5880] =	vst v26  }
0x32: {  	[hbm4b:s9+s2] =	stream.linear.scatter [tilespmem:s21], [sflag:$0x3], $0x80, $0x38;
	[tilespmem:$0x6100] =	vst v63  }
0x33: {  	_ =	swait.ge [sflag:s18], $0x80  }
0x34: {  	[sflag:s18] =	ssyncset.done $0x0  }
0x35: {  	[sflag:s18] =	ssyncadd.s32 $0xFFFFFF80  }
0x36: {  	[tilespmem:$0x5880] =	vst v27  }
0x37: {  	[hbm4b:s10+s2] =	stream.linear.scatter [tilespmem:s21], [sflag:$0x3], $0x80, $0x38;
	[tilespmem:$0x6100] =	vst v63  }
0x38: {  	_ =	swait.ge [sflag:s18], $0x80  }
0x39: {  	[sflag:s18] =	ssyncset.done $0x0  }
0x3a: {  	[sflag:s18] =	ssyncadd.s32 $0xFFFFFF80  }
.LBB2_21:
0x3b: {  	s23 =	sadd.s32 $0x1, s23  }
0x3c: {  	p1 =	sne.s32 s23, s11  }
.Ltmp1:
0x3d: {  	_ = 	snop;
	(pc) =	sbr.rel @!p1 .LBB2_22-.Ltmp1, $1  }
0x3e: {  	_ =	sdelay $0x3  }
.LBB2_1:
0x3f: {  	[tilespmem:s2], [sflag:$0x1] =	stream.strided.gather [hbm4b:s3+s12], $0x2000, s13, s12, $0x38;
	[tilespmem:$0x6100] =	vst v63  }
0x40: {  	s24 =	simm.s32 $0x4040  }
0x41: {  	[tilespmem:s14], [sflag:$0x2] =	stream.strided.gather [hbm4b:s4+s12], $0x2000, s13, s12, $0x38;
	[tilespmem:$0x6100] =	vst v63  }
0x42: {  	[tilespmem:s24+$0xFFFFFFC0] =	vst v1  }
0x43: {  	[tilespmem:s24+$0x30] =	vst v1  }
0x44: {  	[tilespmem:s24+$0x20] =	vst v1  }
0x45: {  	[tilespmem:s24+$0x10] =	vst v1  }
0x46: {  	[tilespmem:s24+$0x0] =	vst v1  }
0x47: {  	[tilespmem:s24+$0xFFFFFFF0] =	vst v1  }
0x48: {  	s25 =	simm.s32 $0x0;
	[tilespmem:s24+$0xFFFFFFE0] =	vst v1  }
.LBB2_2:
0x49: {  	s25 =	sadd.s32 $0x8, s25;
	[tilespmem:s24+$0xFFFFFFD0] =	vst v1;
	s24 =	sadd.s32 $0x80, s24  }
0x4a: {  	[tilespmem:s24+$0xFFFFFFC0] =	vst v1;
	p1 =	slt.u32 s25, $0x78  }
0x4b: {  	[tilespmem:s24+$0x30] =	vst v1  }
.Ltmp2:
0x4c: {  	[tilespmem:s24+$0x20] =	vst v1;
	(pc) =	sbr.rel @p1 .LBB2_2-.Ltmp2, $4  }
0x4d: {  	[tilespmem:s24+$0x10] =	vst v1  }
0x4e: {  	[tilespmem:s24+$0x0] =	vst v1  }
0x4f: {  	[tilespmem:s24+$0xFFFFFFF0] =	vst v1  }
0x50: {  	[tilespmem:s24+$0xFFFFFFE0] =	vst v1  }
0x51: {  	[tilespmem:s24+$0xFFFFFFD0] =	vst v1  }
0x52: {  	_ =	swait.ge [sflag:s15], $0x2000  }
0x53: {  	[sflag:s15] =	ssyncset.done $0x0  }
0x54: {  	[sflag:s15] =	ssyncadd.s32 $0xFFFFE000  }
0x55: {  	_ =	swait.ge [sflag:s16], $0x2000  }
0x56: {  	[sflag:s16] =	ssyncset.done $0x0  }
0x57: {  	s25 =	simm.s32 $0x40;
	[sflag:s16] =	ssyncadd.s32 $0xFFFFE000  }
0x58: {  	v26 =	vld [tilespmem:s25+$0x30]  }
0x59: {  	s24 =	simm.s32 $0x2040;
	v27 =	vld [tilespmem:s25+$0xFFFFFFD0]  }
0x5a: {  	v28 =	vld [tilespmem:s24+$0x30]  }
0x5b: {  	v29 =	vld [tilespmem:s25+$0xFFFFFFE0]  }
0x5c: {  	v30 =	vld [tilespmem:s25+$0xFFFFFFF0]  }
0x5d: {  	v31 =	vld [tilespmem:s25+$0x0]  }
0x5e: {  	v32 =	vld [tilespmem:s25+$0xFFFFFFC0]  }
0x5f: {  	v33 =	vld [tilespmem:s25+$0x10]  }
0x60: {  	v34 =	vld [tilespmem:s24+$0xFFFFFFC0]  }
0x61: {  	v35 =	vld [tilespmem:s24+$0xFFFFFFD0]  }
0x62: {  	v36 =	vld [tilespmem:s24+$0xFFFFFFE0];
	v26 =	vmul.u32 $0xA, v26  }
0x63: {  	v37 =	vld [tilespmem:s25+$0x20];
	v32 =	vmul.u32 $0xA, v32  }
0x64: {  	v62 =	vld [tilespmem:s24+$0x0];
	v27 =	vmul.u32 $0xA, v27;
	v26 =	vadd.s32 v28, v26  }
0x65: {  	v63 =	vld [tilespmem:s24+$0x10];
	v29 =	vmul.u32 $0xA, v29;
	v32 =	vadd.s32 v34, v32;
	v26 =	vadd.s32 v2, v26  }
0x66: {  	v28 =	vld [tilespmem:s24+$0xFFFFFFF0];
	v27 =	vadd.s32 v35, v27;
	v32 =	vadd.s32 v2, v32  }
0x67: {  	v31 =	vmul.u32 $0xA, v31;
	v38 =	vadd.s32 v2, v27;
	v27 =	vadd.s32 v36, v29;
	v29 =	vld [tilespmem:s24+$0x20]  }
0x68: {  	v36 =	vadd.s32 v2, v27  }
0x69: {  	v30 =	vmul.u32 $0xA, v30;
	v33 =	vmul.u32 $0xA, v33;
	v27 =	vadd.s32 v62, v31  }
0x6a: {  	v37 =	vmul.u32 $0xA, v37;
	v27 =	vadd.s32 v2, v27;
	[tilespmem:v26+s17+$0x0] =	vst.idx.add.s32.msk $0xffff, v3  }
0x6b: {  	v26 =	vadd.s32 v28, v30;
	[tilespmem:v32+s17+$0x0] =	vst.idx.add.s32.msk $0xffff, v3;
	v28 =	vadd.s32 v63, v33  }
0x6c: {  	v29 =	vadd.s32 v29, v37;
	[tilespmem:v38+s17+$0x0] =	vst.idx.add.s32.msk $0xffff, v3;
	v26 =	vadd.s32 v2, v26  }
0x6d: {  	s26 =	simm.s32 $0xC0;
	s25 =	simm.s32 $0x0;
	v28 =	vadd.s32 v2, v28;
	v29 =	vadd.s32 v2, v29;
	[tilespmem:v36+s17+$0x0] =	vst.idx.add.s32.msk $0xffff, v3  }
.LBB2_4:
0x6e: {  	v30 =	vld [tilespmem:s26+$0x30];
	s25 =	sadd.s32 $0x8, s25  }
0x6f: {  	s24 =	sadd.s32 $0x80, s24;
	v31 =	vld [tilespmem:s26+$0xFFFFFFD0];
	p1 =	slt.u32 s25, $0x1F8  }
0x70: {  	v32 =	vld [tilespmem:s24+$0x30]  }
0x71: {  	v33 =	vld [tilespmem:s26+$0xFFFFFFE0]  }
0x72: {  	v34 =	vld [tilespmem:s26+$0xFFFFFFF0]  }
0x73: {  	v35 =	vld [tilespmem:s26+$0x0];
	v30 =	vmul.u32 $0xA, v30  }
0x74: {  	v31 =	vmul.u32 $0xA, v31;
	v36 =	vld [tilespmem:s26+$0x10]  }
0x75: {  	v37 =	vld [tilespmem:s26+$0x20];
	v30 =	vadd.s32 v32, v30  }
0x76: {  	v32 =	vld [tilespmem:s26+$0xFFFFFFC0];
	v33 =	vmul.u32 $0xA, v33;
	v30 =	vadd.s32 v2, v30  }
0x77: {  	v38 =	vld [tilespmem:s24+$0xFFFFFFC0];
	v34 =	vmul.u32 $0xA, v34  }
0x78: {  	v39 =	vld [tilespmem:s24+$0xFFFFFFD0];
	v35 =	vmul.u32 $0xA, v35  }
0x79: {  	v40 =	vld [tilespmem:s24+$0xFFFFFFE0];
	v36 =	vmul.u32 $0xA, v36  }
0x7a: {  	v41 =	vld [tilespmem:s24+$0xFFFFFFF0];
	v37 =	vmul.u32 $0xA, v37  }
0x7b: {  	v32 =	vmul.u32 $0xA, v32;
	[tilespmem:v30+s17+$0x0] =	vst.idx.add.s32.msk $0xffff, v3  }
0x7c: {  	v30 =	vld [tilespmem:s24+$0x0]  }
0x7d: {  	v32 =	vadd.s32 v38, v32;
	v31 =	vadd.s32 v39, v31;
	v38 =	vld [tilespmem:s24+$0x10]  }
0x7e: {  	v32 =	vadd.s32 v2, v32;
	v31 =	vadd.s32 v2, v31;
	v33 =	vadd.s32 v40, v33;
	v39 =	vld [tilespmem:s24+$0x20]  }
0x7f: {  	v33 =	vadd.s32 v2, v33;
	v34 =	vadd.s32 v41, v34;
	[tilespmem:v26+s17+$0x0] =	vst.idx.add.s32.msk $0xffff, v3  }
0x80: {  	v26 =	vadd.s32 v2, v34;
	[tilespmem:v27+s17+$0x0] =	vst.idx.add.s32.msk $0xffff, v3  }
.Ltmp3:
0x81: {  	v27 =	vadd.s32 v30, v35;
	[tilespmem:v28+s17+$0x0] =	vst.idx.add.s32.msk $0xffff, v3;
	(pc) =	sbr.rel @p1 .LBB2_4-.Ltmp3, $4  }
0x82: {  	v27 =	vadd.s32 v2, v27;
	v28 =	vadd.s32 v38, v36;
	[tilespmem:v29+s17+$0x0] =	vst.idx.add.s32.msk $0xffff, v3  }
0x83: {  	[tilespmem:v32+s17+$0x0] =	vst.idx.add.s32.msk $0xffff, v3;
	v28 =	vadd.s32 v2, v28;
	v29 =	vadd.s32 v39, v37  }
0x84: {  	[tilespmem:v31+s17+$0x0] =	vst.idx.add.s32.msk $0xffff, v3;
	v29 =	vadd.s32 v2, v29  }
0x85: {  	s26 =	sadd.s32 $0x80, s26;
	[tilespmem:v33+s17+$0x0] =	vst.idx.add.s32.msk $0xffff, v3  }
0x86: {  	_ =	sdelay $0x3  }
0x87: {  	[tilespmem:v26+s17+$0x0] =	vst.idx.add.s32.msk $0xffff, v3  }
0x88: {  	[tilespmem:v27+s17+$0x0] =	vst.idx.add.s32.msk $0xffff, v3  }
0x89: {  	[tilespmem:v28+s17+$0x0] =	vst.idx.add.s32.msk $0xffff, v3  }
0x8a: {  	[tilespmem:v29+s17+$0x0] =	vst.idx.add.s32.msk $0xffff, v3  }
0x8b: {  	[spmem:s5] =	stream.strided.scatter [tilespmem:s17], [sflag:$0x3], $0x800, s13, s12, $0x38;
	[tilespmem:$0x6100] =	vst v63  }
.Ltmp4:
0x8c: {  	_ =	swait.ge [sflag:s18], $0x800;
	(pc) =	sbr.rel @p0 .LBB2_21-.Ltmp4, $3  }
0x8d: {  	[sflag:s18] =	ssyncset.done $0x0  }
0x8e: {  	[sflag:s18] =	ssyncadd.s32 $0xFFFFF800  }
0x8f: {  	[bflag:$0x0] =	sbarrier.arrive $0xFFFF;
	_ =	sdelay $0x1  }
0x90: {  	[tilespmem:s19], [sflag:$0x3] =	stream.strided.gather [spmem:s6], $0x800, s13, s12, $0x38;
	[tilespmem:$0x6100] =	vst v63  }
0x91: {  	_ =	swait.ge [sflag:s18], $0x800  }
0x92: {  	[sflag:s18] =	ssyncset.done $0x0  }
0x93: {  	s24 =	simm.s32 $0x4040;
	[sflag:s18] =	ssyncadd.s32 $0xFFFFF800  }
0x94: {  	s25 =	simm.s32 $0x4840;
	v27 =	vld [tilespmem:s24+$0x30]  }
0x95: {  	v28 =	vld [tilespmem:s25+$0x30]  }
0x96: {  	v26 =	vld [tilespmem:s25+$0xFFFFFFC0]  }
0x97: {  	v29 =	vld [tilespmem:s24+$0xFFFFFFD0]  }
0x98: {  	v30 =	vld [tilespmem:s25+$0xFFFFFFD0]  }
0x99: {  	v31 =	vld [tilespmem:s24+$0xFFFFFFE0]  }
0x9a: {  	v32 =	vld [tilespmem:s25+$0xFFFFFFE0]  }
0x9b: {  	v33 =	vld [tilespmem:s24+$0xFFFFFFF0]  }
0x9c: {  	v34 =	vld [tilespmem:s25+$0xFFFFFFF0]  }
0x9d: {  	v35 =	vld [tilespmem:s24+$0x0]  }
0x9e: {  	v36 =	vld [tilespmem:s25+$0x0]  }
0x9f: {  	v28 =	vadd.s32 v27, v28;
	v27 =	vld [tilespmem:s24+$0x10]  }
0xa0: {  	[tilespmem:s24+$0x30] =	vst v28;
	v28 =	vadd.s32 v29, v30;
	v29 =	vld [tilespmem:s25+$0x10]  }
0xa1: {  	v30 =	vadd.s32 v31, v32;
	[tilespmem:s24+$0xFFFFFFD0] =	vst v28;
	v28 =	vld [tilespmem:s24+$0x20]  }
0xa2: {  	v31 =	vadd.s32 v33, v34;
	[tilespmem:s24+$0xFFFFFFE0] =	vst v30;
	v30 =	vld [tilespmem:s25+$0x20]  }
0xa3: {  	s26 =	simm.s32 $0x0;
	s28 =	simm.s32 $0x40C0;
	v32 =	vadd.s32 v35, v36;
	[tilespmem:s24+$0xFFFFFFF0] =	vst v31;
	v31 =	vld [tilespmem:s24+$0xFFFFFFC0]  }
.LBB2_7:
0xa4: {  	v33 =	vld [tilespmem:s28+$0x30];
	[tilespmem:s24+$0x0] =	vst v32;
	s25 =	sadd.s32 $0x80, s25  }
0xa5: {  	s26 =	sadd.s32 $0x8, s26;
	v32 =	vld [tilespmem:s25+$0x30];
	v27 =	vadd.s32 v27, v29  }
0xa6: {  	p1 =	slt.u32 s26, $0x78;
	v29 =	vld [tilespmem:s25+$0xFFFFFFC0];
	[tilespmem:s24+$0x10] =	vst v27  }
0xa7: {  	v27 =	vld [tilespmem:s28+$0xFFFFFFD0];
	v28 =	vadd.s32 v28, v30  }
0xa8: {  	v30 =	vld [tilespmem:s25+$0xFFFFFFD0];
	v26 =	vadd.s32 v31, v26;
	[tilespmem:s24+$0x20] =	vst v28  }
0xa9: {  	v28 =	vld [tilespmem:s28+$0xFFFFFFE0];
	[tilespmem:s24+$0xFFFFFFC0] =	vst v26;
	s24 =	smov.u32 s28  }
0xaa: {  	v31 =	vld [tilespmem:s25+$0xFFFFFFE0];
	v33 =	vadd.s32 v33, v32  }
0xab: {  	v32 =	vld [tilespmem:s28+$0xFFFFFFF0];
	[tilespmem:s28+$0x30] =	vst v33;
	v26 =	vmov v29  }
0xac: {  	v33 =	vld [tilespmem:s25+$0xFFFFFFF0]  }
0xad: {  	v27 =	vadd.s32 v27, v30;
	v34 =	vld [tilespmem:s28+$0x0]  }
0xae: {  	[tilespmem:s28+$0xFFFFFFD0] =	vst v27;
	v35 =	vld [tilespmem:s25+$0x0]  }
.Ltmp5:
0xaf: {  	v28 =	vadd.s32 v28, v31;
	v27 =	vld [tilespmem:s28+$0x10];
	(pc) =	sbr.rel @p1 .LBB2_7-.Ltmp5, $4  }
0xb0: {  	[tilespmem:s28+$0xFFFFFFE0] =	vst v28;
	v29 =	vld [tilespmem:s25+$0x10]  }
0xb1: {  	v30 =	vadd.s32 v32, v33;
	v28 =	vld [tilespmem:s28+$0x20]  }
0xb2: {  	[tilespmem:s28+$0xFFFFFFF0] =	vst v30;
	v30 =	vld [tilespmem:s25+$0x20]  }
0xb3: {  	s28 =	sadd.s32 $0x80, s28;
	v31 =	vld [tilespmem:s24+$0xFFFFFFC0];
	v32 =	vadd.s32 v34, v35  }
0xb4: {  	_ =	sdelay $0x1  }
0xb5: {  	[tilespmem:s24+$0x0] =	vst v32;
	v27 =	vadd.s32 v27, v29  }
0xb6: {  	[tilespmem:s24+$0x10] =	vst v27;
	v27 =	vadd.s32 v28, v30  }
0xb7: {  	v26 =	vadd.s32 v31, v26;
	[tilespmem:s24+$0x20] =	vst v27  }
0xb8: {  	[tilespmem:s24+$0xFFFFFFC0] =	vst v26  }
0xb9: {  	[tilespmem:s19], [sflag:$0x3] =	stream.strided.gather [spmem:s7], $0x800, s13, s12, $0x38;
	[tilespmem:$0x6100] =	vst v63  }
0xba: {  	_ =	swait.ge [sflag:s18], $0x800  }
0xbb: {  	[sflag:s18] =	ssyncset.done $0x0  }
0xbc: {  	s24 =	simm.s32 $0x4040;
	[sflag:s18] =	ssyncadd.s32 $0xFFFFF800  }
0xbd: {  	s25 =	simm.s32 $0x4840;
	v27 =	vld [tilespmem:s24+$0x30]  }
0xbe: {  	v28 =	vld [tilespmem:s25+$0x30]  }
0xbf: {  	v26 =	vld [tilespmem:s25+$0xFFFFFFC0]  }
0xc0: {  	v29 =	vld [tilespmem:s24+$0xFFFFFFD0]  }
0xc1: {  	v30 =	vld [tilespmem:s25+$0xFFFFFFD0]  }
0xc2: {  	v31 =	vld [tilespmem:s24+$0xFFFFFFE0]  }
0xc3: {  	v63 =	vld [tilespmem:s25+$0xFFFFFFE0]  }
0xc4: {  	v33 =	vld [tilespmem:s24+$0xFFFFFFF0]  }
0xc5: {  	v34 =	vld [tilespmem:s25+$0xFFFFFFF0]  }
0xc6: {  	v35 =	vld [tilespmem:s24+$0x0]  }
0xc7: {  	v36 =	vld [tilespmem:s25+$0x0]  }
0xc8: {  	v28 =	vadd.s32 v27, v28;
	v27 =	vld [tilespmem:s24+$0x10]  }
0xc9: {  	[tilespmem:s24+$0x30] =	vst v28;
	v28 =	vadd.s32 v29, v30;
	v29 =	vld [tilespmem:s25+$0x10]  }
0xca: {  	v30 =	vadd.s32 v31, v63;
	[tilespmem:s24+$0xFFFFFFD0] =	vst v28;
	v28 =	vld [tilespmem:s24+$0x20]  }
0xcb: {  	v31 =	vadd.s32 v33, v34;
	[tilespmem:s24+$0xFFFFFFE0] =	vst v30;
	v30 =	vld [tilespmem:s25+$0x20]  }
0xcc: {  	s26 =	simm.s32 $0x0;
	s28 =	simm.s32 $0x40C0;
	v32 =	vadd.s32 v35, v36;
	[tilespmem:s24+$0xFFFFFFF0] =	vst v31;
	v31 =	vld [tilespmem:s24+$0xFFFFFFC0]  }
.LBB2_9:
0xcd: {  	v33 =	vld [tilespmem:s28+$0x30];
	[tilespmem:s24+$0x0] =	vst v32;
	s25 =	sadd.s32 $0x80, s25  }
0xce: {  	s26 =	sadd.s32 $0x8, s26;
	v32 =	vld [tilespmem:s25+$0x30];
	v27 =	vadd.s32 v27, v29  }
0xcf: {  	p1 =	slt.u32 s26, $0x78;
	v29 =	vld [tilespmem:s25+$0xFFFFFFC0];
	[tilespmem:s24+$0x10] =	vst v27  }
0xd0: {  	v27 =	vld [tilespmem:s28+$0xFFFFFFD0];
	v28 =	vadd.s32 v28, v30  }
0xd1: {  	v30 =	vld [tilespmem:s25+$0xFFFFFFD0];
	v26 =	vadd.s32 v31, v26;
	[tilespmem:s24+$0x20] =	vst v28  }
0xd2: {  	v28 =	vld [tilespmem:s28+$0xFFFFFFE0];
	[tilespmem:s24+$0xFFFFFFC0] =	vst v26;
	s24 =	smov.u32 s28  }
0xd3: {  	v31 =	vld [tilespmem:s25+$0xFFFFFFE0];
	v33 =	vadd.s32 v33, v32  }
0xd4: {  	v32 =	vld [tilespmem:s28+$0xFFFFFFF0];
	[tilespmem:s28+$0x30] =	vst v33;
	v26 =	vmov v29  }
0xd5: {  	v33 =	vld [tilespmem:s25+$0xFFFFFFF0]  }
0xd6: {  	v27 =	vadd.s32 v27, v30;
	v34 =	vld [tilespmem:s28+$0x0]  }
0xd7: {  	[tilespmem:s28+$0xFFFFFFD0] =	vst v27;
	v35 =	vld [tilespmem:s25+$0x0]  }
.Ltmp6:
0xd8: {  	v28 =	vadd.s32 v28, v31;
	v27 =	vld [tilespmem:s28+$0x10];
	(pc) =	sbr.rel @p1 .LBB2_9-.Ltmp6, $4  }
0xd9: {  	[tilespmem:s28+$0xFFFFFFE0] =	vst v28;
	v29 =	vld [tilespmem:s25+$0x10]  }
0xda: {  	v30 =	vadd.s32 v32, v33;
	v28 =	vld [tilespmem:s28+$0x20]  }
0xdb: {  	[tilespmem:s28+$0xFFFFFFF0] =	vst v30;
	v30 =	vld [tilespmem:s25+$0x20]  }
0xdc: {  	s28 =	sadd.s32 $0x80, s28;
	v31 =	vld [tilespmem:s24+$0xFFFFFFC0];
	v32 =	vadd.s32 v34, v35  }
0xdd: {  	_ =	sdelay $0x1  }
0xde: {  	[tilespmem:s24+$0x0] =	vst v32;
	v27 =	vadd.s32 v27, v29  }
0xdf: {  	[tilespmem:s24+$0x10] =	vst v27;
	v27 =	vadd.s32 v28, v30  }
0xe0: {  	v26 =	vadd.s32 v31, v26;
	[tilespmem:s24+$0x20] =	vst v27  }
0xe1: {  	[tilespmem:s24+$0xFFFFFFC0] =	vst v26  }
0xe2: {  	[tilespmem:s19], [sflag:$0x3] =	stream.strided.gather [spmem:s8], $0x800, s13, s12, $0x38;
	[tilespmem:$0x6100] =	vst v63  }
0xe3: {  	_ =	swait.ge [sflag:s18], $0x800  }
0xe4: {  	[sflag:s18] =	ssyncset.done $0x0  }
0xe5: {  	s26 =	simm.s32 $0x4040;
	[sflag:s18] =	ssyncadd.s32 $0xFFFFF800  }
0xe6: {  	s28 =	simm.s32 $0x4840;
	v27 =	vld [tilespmem:s26+$0x30]  }
0xe7: {  	v28 =	vld [tilespmem:s28+$0x30]  }
0xe8: {  	v26 =	vld [tilespmem:s28+$0xFFFFFFC0]  }
0xe9: {  	v29 =	vld [tilespmem:s26+$0xFFFFFFD0]  }
0xea: {  	v30 =	vld [tilespmem:s28+$0xFFFFFFD0]  }
0xeb: {  	v31 =	vld [tilespmem:s26+$0xFFFFFFE0]  }
0xec: {  	v63 =	vld [tilespmem:s28+$0xFFFFFFE0]  }
0xed: {  	v33 =	vld [tilespmem:s26+$0xFFFFFFF0]  }
0xee: {  	v34 =	vld [tilespmem:s28+$0xFFFFFFF0]  }
0xef: {  	v35 =	vld [tilespmem:s26+$0x0]  }
0xf0: {  	v36 =	vld [tilespmem:s28+$0x0]  }
0xf1: {  	v28 =	vadd.s32 v27, v28;
	v27 =	vld [tilespmem:s26+$0x10]  }
0xf2: {  	[tilespmem:s26+$0x30] =	vst v28;
	v28 =	vadd.s32 v29, v30;
	v29 =	vld [tilespmem:s28+$0x10]  }
0xf3: {  	v30 =	vadd.s32 v31, v63;
	[tilespmem:s26+$0xFFFFFFD0] =	vst v28;
	v28 =	vld [tilespmem:s26+$0x20]  }
0xf4: {  	s29 =	simm.s32 $0x0;
	v31 =	vadd.s32 v33, v34;
	[tilespmem:s26+$0xFFFFFFE0] =	vst v30;
	v30 =	vld [tilespmem:s28+$0x20]  }
0xf5: {  	s25 =	simm.s32 $0x4400;
	s30 =	simm.s32 $0x40C0;
	s24 =	simm.s32 $0x4810;
	v32 =	vadd.s32 v35, v36;
	[tilespmem:s26+$0xFFFFFFF0] =	vst v31;
	v31 =	vld [tilespmem:s26+$0xFFFFFFC0]  }
.LBB2_11:
0xf6: {  	v33 =	vld [tilespmem:s30+$0x30];
	[tilespmem:s26+$0x0] =	vst v32;
	s28 =	sadd.s32 $0x80, s28  }
0xf7: {  	s29 =	sadd.s32 $0x8, s29;
	v32 =	vld [tilespmem:s28+$0x30];
	v27 =	vadd.s32 v27, v29  }
0xf8: {  	p1 =	slt.u32 s29, $0x78;
	v29 =	vld [tilespmem:s28+$0xFFFFFFC0];
	[tilespmem:s26+$0x10] =	vst v27  }
0xf9: {  	v27 =	vld [tilespmem:s30+$0xFFFFFFD0];
	v28 =	vadd.s32 v28, v30  }
0xfa: {  	v30 =	vld [tilespmem:s28+$0xFFFFFFD0];
	v26 =	vadd.s32 v31, v26;
	[tilespmem:s26+$0x20] =	vst v28  }
0xfb: {  	v28 =	vld [tilespmem:s30+$0xFFFFFFE0];
	[tilespmem:s26+$0xFFFFFFC0] =	vst v26;
	s26 =	smov.u32 s30  }
0xfc: {  	v31 =	vld [tilespmem:s28+$0xFFFFFFE0];
	v33 =	vadd.s32 v33, v32  }
0xfd: {  	v32 =	vld [tilespmem:s30+$0xFFFFFFF0];
	[tilespmem:s30+$0x30] =	vst v33;
	v26 =	vmov v29  }
0xfe: {  	v33 =	vld [tilespmem:s28+$0xFFFFFFF0]  }
0xff: {  	v27 =	vadd.s32 v27, v30;
	v34 =	vld [tilespmem:s30+$0x0]  }
0x100: {  	[tilespmem:s30+$0xFFFFFFD0] =	vst v27;
	v35 =	vld [tilespmem:s28+$0x0]  }
.Ltmp7:
0x101: {  	v28 =	vadd.s32 v28, v31;
	v27 =	vld [tilespmem:s30+$0x10];
	(pc) =	sbr.rel @p1 .LBB2_11-.Ltmp7, $4  }
0x102: {  	[tilespmem:s30+$0xFFFFFFE0] =	vst v28;
	v29 =	vld [tilespmem:s28+$0x10]  }
0x103: {  	v30 =	vadd.s32 v32, v33;
	v28 =	vld [tilespmem:s30+$0x20]  }
0x104: {  	[tilespmem:s30+$0xFFFFFFF0] =	vst v30;
	v30 =	vld [tilespmem:s28+$0x20]  }
0x105: {  	s30 =	sadd.s32 $0x80, s30;
	v31 =	vld [tilespmem:s26+$0xFFFFFFC0];
	v32 =	vadd.s32 v34, v35  }
0x106: {  	_ =	sdelay $0x1  }
0x107: {  	[tilespmem:s26+$0x0] =	vst v32;
	v27 =	vadd.s32 v27, v29  }
0x108: {  	[tilespmem:s26+$0x10] =	vst v27;
	v27 =	vadd.s32 v28, v30  }
0x109: {  	v26 =	vadd.s32 v31, v26;
	[tilespmem:s26+$0x20] =	vst v27  }
0x10a: {  	[tilespmem:s26+$0xFFFFFFC0] =	vst v26  }
0x10b: {  	v26 =	vld [tilespmem:s25+$0xFFFFFC10]  }
0x10c: {  	v27 =	vld [tilespmem:s25+$0xFFFFFC90]  }
0x10d: {  	v28 =	vld [tilespmem:s25+$0xFFFFFD10]  }
0x10e: {  	v29 =	vld [tilespmem:s25+$0xFFFFFD90]  }
0x10f: {  	v30 =	vld [tilespmem:s25+$0xFFFFFE10]  }
0x110: {  	v31 =	vld [tilespmem:s25+$0xFFFFFE90]  }
0x111: {  	v32 =	vld [tilespmem:s25+$0xFFFFFF10]  }
0x112: {  	v33 =	vld [tilespmem:s25+$0xFFFFFF90]  }
0x113: {  	v34 =	vld [tilespmem:s25+$0x10]  }
0x114: {  	v35 =	vld [tilespmem:s25+$0x90]  }
0x115: {  	v36 =	vld [tilespmem:s25+$0x110]  }
0x116: {  	v37 =	vld [tilespmem:s25+$0x190]  }
0x117: {  	v38 =	vld [tilespmem:s25+$0x210]  }
0x118: {  	v39 =	vld [tilespmem:s25+$0x290]  }
0x119: {  	v40 =	vld [tilespmem:s25+$0x310]  }
0x11a: {  	v41 =	vld [tilespmem:s25+$0x390]  }
0x11b: {  	v26 =	vadd.s32 v26, v27;
	v27 =	vld [tilespmem:s25+$0xFFFFFC80]  }
0x11c: {  	v26 =	vadd.s32 v28, v26;
	v28 =	vld [tilespmem:s25+$0xFFFFFC00]  }
0x11d: {  	v26 =	vadd.s32 v29, v26;
	v29 =	vld [tilespmem:s25+$0xFFFFFD00]  }
0x11e: {  	v26 =	vadd.s32 v30, v26;
	v30 =	vld [tilespmem:s25+$0xFFFFFD80]  }
0x11f: {  	v26 =	vadd.s32 v31, v26;
	v31 =	vld [tilespmem:s25+$0xFFFFFE00]  }
0x120: {  	v61 =	vld [tilespmem:s25+$0xFFFFFE80];
	v26 =	vadd.s32 v32, v26  }
0x121: {  	v26 =	vadd.s32 v33, v26;
	v27 =	vadd.s32 v28, v27;
	v28 =	vld [tilespmem:s25+$0xFFFFFF00]  }
0x122: {  	v26 =	vadd.s32 v34, v26;
	v27 =	vadd.s32 v29, v27;
	v29 =	vld [tilespmem:s25+$0xFFFFFF80]  }
0x123: {  	v26 =	vadd.s32 v35, v26;
	v27 =	vadd.s32 v30, v27;
	v30 =	vld [tilespmem:s25+$0x0]  }
0x124: {  	v26 =	vadd.s32 v36, v26;
	v27 =	vadd.s32 v31, v27;
	v31 =	vld [tilespmem:s25+$0x80]  }
0x125: {  	v62 =	vld [tilespmem:s25+$0x100];
	v26 =	vadd.s32 v37, v26;
	v27 =	vadd.s32 v61, v27  }
0x126: {  	v63 =	vadd.s32 v38, v26;
	v27 =	vadd.s32 v28, v27;
	v26 =	vld [tilespmem:s25+$0x180]  }
0x127: {  	v28 =	vadd.s32 v39, v63;
	v29 =	vadd.s32 v29, v27;
	v27 =	vld [tilespmem:s25+$0x200]  }
0x128: {  	v33 =	vadd.s32 v40, v28;
	v29 =	vadd.s32 v30, v29;
	v28 =	vld [tilespmem:s25+$0x280]  }
0x129: {  	v30 =	vadd.s32 v41, v33;
	v31 =	vadd.s32 v31, v29;
	v29 =	vld [tilespmem:s25+$0x300]  }
0x12a: {  	s26 =	simm.s32 $0x0;
	[tilespmem:s24+$0x0] =	vst v30;
	v31 =	vadd.s32 v62, v31;
	v30 =	vld [tilespmem:s25+$0x380];
	s25 =	simm.s32 $0x4420  }
.LBB2_13:
0x12b: {  	v32 =	vld [tilespmem:s25+$0xFFFFFC10];
	v26 =	vadd.s32 v26, v31  }
0x12c: {  	s26 =	sadd.s32 $0x2, s26;
	v31 =	vld [tilespmem:s25+$0xFFFFFC90];
	v26 =	vadd.s32 v27, v26  }
0x12d: {  	p1 =	slt.u32 s26, $0x6;
	v27 =	vld [tilespmem:s25+$0xFFFFFD10];
	v26 =	vadd.s32 v28, v26  }
0x12e: {  	v28 =	vld [tilespmem:s25+$0xFFFFFD90];
	v26 =	vadd.s32 v29, v26  }
0x12f: {  	v29 =	vld [tilespmem:s25+$0xFFFFFE10];
	v26 =	vadd.s32 v30, v26  }
0x130: {  	v30 =	vld [tilespmem:s25+$0xFFFFFE90];
	[tilespmem:s24+$0xFFFFFFF0] =	vst v26  }
0x131: {  	v26 =	vadd.s32 v32, v31;
	v31 =	vld [tilespmem:s25+$0xFFFFFF10]  }
0x132: {  	v26 =	vadd.s32 v27, v26;
	v27 =	vld [tilespmem:s25+$0xFFFFFF90]  }
0x133: {  	v26 =	vadd.s32 v28, v26;
	v28 =	vld [tilespmem:s25+$0x10]  }
0x134: {  	v26 =	vadd.s32 v29, v26;
	v29 =	vld [tilespmem:s25+$0x90]  }
0x135: {  	v26 =	vadd.s32 v30, v26;
	v30 =	vld [tilespmem:s25+$0x110]  }
0x136: {  	v26 =	vadd.s32 v31, v26;
	v31 =	vld [tilespmem:s25+$0x190]  }
0x137: {  	v26 =	vadd.s32 v27, v26;
	v27 =	vld [tilespmem:s25+$0x210]  }
0x138: {  	v26 =	vadd.s32 v28, v26;
	v28 =	vld [tilespmem:s25+$0x290]  }
0x139: {  	v26 =	vadd.s32 v29, v26;
	v29 =	vld [tilespmem:s25+$0x310]  }
0x13a: {  	v26 =	vadd.s32 v30, v26;
	v30 =	vld [tilespmem:s25+$0x390]  }
0x13b: {  	v32 =	vld [tilespmem:s25+$0xFFFFFC80];
	v26 =	vadd.s32 v31, v26  }
0x13c: {  	v31 =	vld [tilespmem:s25+$0xFFFFFC00];
	v26 =	vadd.s32 v27, v26  }
0x13d: {  	v27 =	vld [tilespmem:s25+$0xFFFFFD00];
	v26 =	vadd.s32 v28, v26  }
0x13e: {  	v28 =	vld [tilespmem:s25+$0xFFFFFD80];
	v26 =	vadd.s32 v29, v26  }
0x13f: {  	s24 =	sadd.s32 $0x20, s24;
	v29 =	vld [tilespmem:s25+$0xFFFFFE00];
	v26 =	vadd.s32 v30, v26  }
0x140: {  	v30 =	vld [tilespmem:s25+$0xFFFFFE80];
	[tilespmem:s24+$0x0] =	vst v26  }
0x141: {  	v26 =	vadd.s32 v31, v32;
	v31 =	vld [tilespmem:s25+$0xFFFFFF00]  }
0x142: {  	v26 =	vadd.s32 v27, v26;
	v27 =	vld [tilespmem:s25+$0xFFFFFF80]  }
0x143: {  	v26 =	vadd.s32 v28, v26;
	v28 =	vld [tilespmem:s25+$0x0]  }
0x144: {  	v26 =	vadd.s32 v29, v26;
	v29 =	vld [tilespmem:s25+$0x80]  }
0x145: {  	v26 =	vadd.s32 v30, v26;
	v30 =	vld [tilespmem:s25+$0x100]  }
.Ltmp8:
0x146: {  	v31 =	vadd.s32 v31, v26;
	v26 =	vld [tilespmem:s25+$0x180];
	(pc) =	sbr.rel @p1 .LBB2_13-.Ltmp8, $4  }
0x147: {  	v31 =	vadd.s32 v27, v31;
	v27 =	vld [tilespmem:s25+$0x200]  }
0x148: {  	v31 =	vadd.s32 v28, v31;
	v28 =	vld [tilespmem:s25+$0x280]  }
0x149: {  	v31 =	vadd.s32 v29, v31;
	v29 =	vld [tilespmem:s25+$0x300]  }
0x14a: {  	v31 =	vadd.s32 v30, v31;
	v30 =	vld [tilespmem:s25+$0x380];
	s25 =	sadd.s32 $0x20, s25  }
0x14b: {  	v26 =	vadd.s32 v26, v31  }
0x14c: {  	v26 =	vadd.s32 v27, v26  }
0x14d: {  	v26 =	vadd.s32 v28, v26  }
0x14e: {  	v26 =	vadd.s32 v29, v26  }
0x14f: {  	v26 =	vadd.s32 v30, v26  }
0x150: {  	[tilespmem:s24+$0xFFFFFFF0] =	vst v26  }
0x151: {  	v26 =	vld.idx.msk [tilespmem:v0+s19+$0x0], $0xffff  }
0x152: {  	v27 =	vld.idx.msk [tilespmem:v4+s19+$0x0], $0xffff;
	_ =	sdelay $0x1  }
0x153: {  	v28 =	vld.idx.msk [tilespmem:v5+s19+$0x0], $0xffff;
	_ =	sdelay $0x1  }
0x154: {  	v29 =	vld.idx.msk [tilespmem:v6+s19+$0x0], $0xffff  }
0x155: {  	v26 =	vcvt.s32.f32 v26;
	v27 =	vcvt.s32.f32 v27  }
0x156: {  	v30 =	vld.idx.msk [tilespmem:v7+s19+$0x0], $0xffff  }
0x157: {  	v28 =	vcvt.s32.f32 v28;
	v26 =	vnsel vm0, $0x0, v26;
	v27 =	vnsel vm0, $0x0, v27  }
0x158: {  	v32 =	vld.idx.msk [tilespmem:v8+s19+$0x0], $0xffff;
	v31 =	vadd.f32 v27, v26  }
0x159: {  	v29 =	vcvt.s32.f32 v29;
	v28 =	vnsel vm0, $0x0, v28  }
0x15a: {  	v33 =	vld.idx.msk [tilespmem:v9+s19+$0x0], $0xffff;
	v31 =	vadd.f32 v28, v31  }
0x15b: {  	v30 =	vcvt.s32.f32 v30;
	v29 =	vnsel vm0, $0x0, v29  }
0x15c: {  	v34 =	vld.idx.msk [tilespmem:v10+s19+$0x0], $0xffff;
	v31 =	vadd.f32 v29, v31  }
0x15d: {  	v32 =	vcvt.s32.f32 v32;
	v30 =	vnsel vm0, $0x0, v30  }
0x15e: {  	v35 =	vld.idx.msk [tilespmem:v11+s19+$0x0], $0xffff;
	v31 =	vadd.f32 v30, v31  }
0x15f: {  	v33 =	vcvt.s32.f32 v33;
	v32 =	vnsel vm0, $0x0, v32  }
0x160: {  	v36 =	vld.idx.msk [tilespmem:v12+s19+$0x0], $0xffff;
	v31 =	vadd.f32 v32, v31  }
0x161: {  	v34 =	vcvt.s32.f32 v34;
	v33 =	vnsel vm0, $0x0, v33  }
0x162: {  	v31 =	vadd.f32 v33, v31  }
0x163: {  	v40 =	vcvt.s32.f32 v35;
	v37 =	vnsel vm0, $0x0, v34  }
0x164: {  	(xrf2) =	vadd.scan.msk.f32 $0xffff, v26;
	v31 =	vadd.f32 v37, v31  }
0x165: {  	v35 =	vnsel vm0, $0x0, v40;
	v26 =	vcvt.s32.f32 v36  }
0x166: {  	v31 =	vadd.f32 v35, v31  }
0x167: {  	v36 =	vnsel vm0, $0x0, v26  }
0x168: {  	v26 =	vadd.f32 v36, v31;
	_ =	sdelay $0x1  }
0x169: {  	[tilespmem:$0x5800] =	vst v26  }
0x16a: {  	v41 =	vld.idx.msk [tilespmem:v13+s20+$0x0], $0xffff;
	[tilespmem:$0x5000] =	vst v14  }
0x16b: {  	v31 =	vld.idx.msk [tilespmem:v13+s19+$0x0], $0xffff;
	_ =	sdelay $0x1  }
0x16c: {  	v26, _, _ =	vpop (xrf2)  }
0x16d: {  	v26 =	vbroadcast v26, $0xF;
	_ =	sdelay $0x1  }
0x16e: {  	v38 =	vadd.f32 v41, v26;
	v31 =	vcvt.s32.f32 v31;
	_ =	sdelay $0x1  }
0x16f: {  	v38 =	vsub.f32 v38, v31;
	_ =	sdelay $0x1  }
0x170: {  	v38 =	vmax.f32 v38, $1.000000000e+00  }
0x171: {  	(erf) = vrcp.f32 v38;
	_ =	sdelay $0x7  }
0x172: {  	(xrf2) =	vadd.scan.msk.f32 $0xffff, v27  }
0x173: {  	v27 =	vpop (erf)  }
0x174: {  	v27 =	vmul.f32 v31, v27;
	_ =	sdelay $0x1  }
0x175: {  	v27 =	vsub.f32 $0.0e+00, v27;
	_ =	sdelay $0x1  }
0x176: {  	v27 =	vsel vm1, $0x7F800000, v27  }
0x177: {  	[tilespmem:$0x5080] =	vst v27  }
0x178: {  	v31 =	vld.idx.msk [tilespmem:v15+s19+$0x0], $0xffff;
	_ =	sdelay $0x1  }
0x179: {  	v27, _, _ =	vpop (xrf2)  }
0x17a: {  	v27 =	vbroadcast v27, $0xF;
	_ =	sdelay $0x1  }
0x17b: {  	v42 =	vadd.f32 v41, v27;
	v31 =	vcvt.s32.f32 v31;
	_ =	sdelay $0x1  }
0x17c: {  	v38 =	vsub.f32 v42, v31;
	_ =	sdelay $0x1  }
0x17d: {  	v38 =	vmax.f32 v38, $1.000000000e+00  }
0x17e: {  	(erf) = vrcp.f32 v38;
	_ =	sdelay $0x7  }
0x17f: {  	(xrf2) =	vadd.scan.msk.f32 $0xffff, v28  }
0x180: {  	v28 =	vpop (erf)  }
0x181: {  	v28 =	vmul.f32 v31, v28;
	_ =	sdelay $0x1  }
0x182: {  	v28 =	vsub.f32 $0.0e+00, v28;
	_ =	sdelay $0x1  }
0x183: {  	v28 =	vsel vm1, $0x7F800000, v28  }
0x184: {  	[tilespmem:$0x5100] =	vst v28  }
0x185: {  	v31 =	vld.idx.msk [tilespmem:v16+s19+$0x0], $0xffff;
	_ =	sdelay $0x1  }
0x186: {  	v28, _, _ =	vpop (xrf2)  }
0x187: {  	v28 =	vbroadcast v28, $0xF;
	_ =	sdelay $0x1  }
0x188: {  	v43 =	vadd.f32 v41, v28;
	v31 =	vcvt.s32.f32 v31;
	_ =	sdelay $0x1  }
0x189: {  	v38 =	vsub.f32 v43, v31;
	_ =	sdelay $0x1  }
0x18a: {  	v38 =	vmax.f32 v38, $1.000000000e+00  }
0x18b: {  	(erf) = vrcp.f32 v38;
	_ =	sdelay $0x7  }
0x18c: {  	(xrf2) =	vadd.scan.msk.f32 $0xffff, v29  }
0x18d: {  	v29 =	vpop (erf)  }
0x18e: {  	v29 =	vmul.f32 v31, v29;
	_ =	sdelay $0x1  }
0x18f: {  	v29 =	vsub.f32 $0.0e+00, v29;
	_ =	sdelay $0x1  }
0x190: {  	v29 =	vsel vm1, $0x7F800000, v29  }
0x191: {  	[tilespmem:$0x5180] =	vst v29  }
0x192: {  	v31 =	vld.idx.msk [tilespmem:v17+s19+$0x0], $0xffff;
	_ =	sdelay $0x1  }
0x193: {  	v29, _, _ =	vpop (xrf2)  }
0x194: {  	v29 =	vbroadcast v29, $0xF;
	_ =	sdelay $0x1  }
0x195: {  	v44 =	vadd.f32 v41, v29;
	v31 =	vcvt.s32.f32 v31;
	_ =	sdelay $0x1  }
0x196: {  	v38 =	vsub.f32 v44, v31;
	_ =	sdelay $0x1  }
0x197: {  	v38 =	vmax.f32 v38, $1.000000000e+00  }
0x198: {  	(erf) = vrcp.f32 v38;
	_ =	sdelay $0x7  }
0x199: {  	(xrf2) =	vadd.scan.msk.f32 $0xffff, v30  }
0x19a: {  	v30 =	vpop (erf)  }
0x19b: {  	v30 =	vmul.f32 v31, v30;
	_ =	sdelay $0x1  }
0x19c: {  	v30 =	vsub.f32 $0.0e+00, v30;
	_ =	sdelay $0x1  }
0x19d: {  	v30 =	vsel vm1, $0x7F800000, v30  }
0x19e: {  	[tilespmem:$0x5200] =	vst v30  }
0x19f: {  	v31 =	vld.idx.msk [tilespmem:v18+s19+$0x0], $0xffff;
	_ =	sdelay $0x1  }
0x1a0: {  	v30, _, _ =	vpop (xrf2)  }
0x1a1: {  	v30 =	vbroadcast v30, $0xF;
	_ =	sdelay $0x1  }
0x1a2: {  	v45 =	vadd.f32 v41, v30;
	v31 =	vcvt.s32.f32 v31;
	_ =	sdelay $0x1  }
0x1a3: {  	v38 =	vsub.f32 v45, v31;
	_ =	sdelay $0x1  }
0x1a4: {  	v38 =	vmax.f32 v38, $1.000000000e+00  }
0x1a5: {  	(erf) = vrcp.f32 v38;
	_ =	sdelay $0x7  }
0x1a6: {  	(xrf2) =	vadd.scan.msk.f32 $0xffff, v32  }
0x1a7: {  	v46 =	vpop (erf)  }
0x1a8: {  	v31 =	vmul.f32 v31, v46;
	_ =	sdelay $0x1  }
0x1a9: {  	v31 =	vsub.f32 $0.0e+00, v31;
	_ =	sdelay $0x1  }
0x1aa: {  	v31 =	vsel vm1, $0x7F800000, v31  }
0x1ab: {  	[tilespmem:$0x5280] =	vst v31  }
0x1ac: {  	v47 =	vld.idx.msk [tilespmem:v19+s19+$0x0], $0xffff;
	_ =	sdelay $0x1  }
0x1ad: {  	v31, _, _ =	vpop (xrf2)  }
0x1ae: {  	v31 =	vbroadcast v31, $0xF;
	_ =	sdelay $0x1  }
0x1af: {  	v48 =	vadd.f32 v41, v31;
	v32 =	vcvt.s32.f32 v47;
	_ =	sdelay $0x1  }
0x1b0: {  	v38 =	vsub.f32 v48, v32;
	_ =	sdelay $0x1  }
0x1b1: {  	v38 =	vmax.f32 v38, $1.000000000e+00  }
0x1b2: {  	(erf) = vrcp.f32 v38;
	_ =	sdelay $0x7  }
0x1b3: {  	(xrf2) =	vadd.scan.msk.f32 $0xffff, v33  }
0x1b4: {  	v49 =	vpop (erf)  }
0x1b5: {  	v32 =	vmul.f32 v32, v49;
	_ =	sdelay $0x1  }
0x1b6: {  	v32 =	vsub.f32 $0.0e+00, v32;
	_ =	sdelay $0x1  }
0x1b7: {  	v32 =	vsel vm1, $0x7F800000, v32  }
0x1b8: {  	[tilespmem:$0x5300] =	vst v32  }
0x1b9: {  	v50 =	vld.idx.msk [tilespmem:v20+s19+$0x0], $0xffff;
	_ =	sdelay $0x1  }
0x1ba: {  	v51, _, _ =	vpop (xrf2)  }
0x1bb: {  	v32 =	vbroadcast v51, $0xF;
	_ =	sdelay $0x1  }
0x1bc: {  	v52 =	vadd.f32 v41, v32;
	v33 =	vcvt.s32.f32 v50;
	_ =	sdelay $0x1  }
0x1bd: {  	v38 =	vsub.f32 v52, v33;
	_ =	sdelay $0x1  }
0x1be: {  	v38 =	vmax.f32 v38, $1.000000000e+00  }
0x1bf: {  	(erf) = vrcp.f32 v38;
	_ =	sdelay $0x7  }
0x1c0: {  	(xrf2) =	vadd.scan.msk.f32 $0xffff, v37  }
0x1c1: {  	v53 =	vpop (erf)  }
0x1c2: {  	v33 =	vmul.f32 v33, v53;
	_ =	sdelay $0x1  }
0x1c3: {  	v33 =	vsub.f32 $0.0e+00, v33;
	_ =	sdelay $0x1  }
0x1c4: {  	v33 =	vsel vm1, $0x7F800000, v33  }
0x1c5: {  	[tilespmem:$0x5380] =	vst v33  }
0x1c6: {  	v54 =	vld.idx.msk [tilespmem:v21+s19+$0x0], $0xffff;
	_ =	sdelay $0x1  }
0x1c7: {  	v55, _, _ =	vpop (xrf2)  }
0x1c8: {  	v33 =	vbroadcast v55, $0xF;
	_ =	sdelay $0x1  }
0x1c9: {  	v56 =	vadd.f32 v33, v41;
	v37 =	vcvt.s32.f32 v54;
	_ =	sdelay $0x1  }
0x1ca: {  	v38 =	vsub.f32 v56, v37;
	_ =	sdelay $0x1  }
0x1cb: {  	v38 =	vmax.f32 v38, $1.000000000e+00  }
0x1cc: {  	(erf) = vrcp.f32 v38;
	_ =	sdelay $0x7  }
0x1cd: {  	(xrf2) =	vadd.scan.msk.f32 $0xffff, v35  }
0x1ce: {  	v57 =	vpop (erf)  }
0x1cf: {  	v35 =	vmul.f32 v37, v57;
	_ =	sdelay $0x1  }
0x1d0: {  	v35 =	vsub.f32 $0.0e+00, v35;
	_ =	sdelay $0x1  }
0x1d1: {  	v35 =	vsel vm1, $0x7F800000, v35  }
0x1d2: {  	[tilespmem:$0x5400] =	vst v35  }
0x1d3: {  	v58 =	vld.idx.msk [tilespmem:v22+s19+$0x0], $0xffff;
	_ =	sdelay $0x1  }
0x1d4: {  	v59, _, _ =	vpop (xrf2)  }
0x1d5: {  	v35 =	vbroadcast v59, $0xF;
	_ =	sdelay $0x1  }
0x1d6: {  	v60 =	vadd.f32 v35, v41;
	v37 =	vcvt.s32.f32 v58;
	_ =	sdelay $0x1  }
0x1d7: {  	v38 =	vsub.f32 v60, v37;
	_ =	sdelay $0x1  }
0x1d8: {  	v38 =	vmax.f32 v38, $1.000000000e+00  }
0x1d9: {  	(erf) = vrcp.f32 v38;
	_ =	sdelay $0x7  }
0x1da: {  	(xrf2) =	vadd.scan.msk.f32 $0xffff, v36  }
0x1db: {  	v61 =	vpop (erf)  }
0x1dc: {  	v36 =	vmul.f32 v37, v61;
	_ =	sdelay $0x1  }
0x1dd: {  	v36 =	vsub.f32 $0.0e+00, v36;
	_ =	sdelay $0x1  }
0x1de: {  	v36 =	vsel vm1, $0x7F800000, v36  }
0x1df: {  	[tilespmem:$0x5480] =	vst v36  }
0x1e0: {  	v62 =	vld.idx.msk [tilespmem:v23+s19+$0x0], $0xffff;
	_ =	sdelay $0x1  }
0x1e1: {  	v63, _, _ =	vpop (xrf2)  }
0x1e2: {  	v36 =	vbroadcast v63, $0xF;
	_ =	sdelay $0x1  }
0x1e3: {  	v34 =	vadd.f32 v36, v41;
	v37 =	vcvt.s32.f32 v62;
	_ =	sdelay $0x1  }
0x1e4: {  	v34 =	vsub.f32 v34, v37;
	_ =	sdelay $0x1  }
0x1e5: {  	v34 =	vmax.f32 v34, $1.000000000e+00  }
0x1e6: {  	(erf) = vrcp.f32 v34;
	_ =	sdelay $0x8  }
0x1e7: {  	v34 =	vpop (erf)  }
0x1e8: {  	v34 =	vmul.f32 v37, v34  }
.Ltmp9:
0x1e9: {  	_ = 	snop;
	(pc) =	sbr.rel .LBB2_15-.Ltmp9, $4  }
0x1ea: {  	v34 =	vsub.f32 $0.0e+00, v34  }
0x1eb: {  	v37 =	vimm.f32 $0.0e+00  }
0x1ec: {  	[tilespmem:$0x5800] =	vst v37;
	v34 =	vsel vm1, $0x7F800000, v34  }
0x1ed: {  	s24 =	simm.s32 $0x1;
	v38 =	vimm.s32 $0x0;
	[tilespmem:$0x5500] =	vst v34;
	v34 =	vimm.s32 $0x0  }
.LBB2_19:
0x1ee: {  	s24 =	sadd.s32 $0x1, s24  }
0x1ef: {  	p1 =	sne.s32 s24, $0xB  }
.Ltmp10:
0x1f0: {  	_ = 	snop;
	(pc) =	sbr.rel @!p1 .LBB2_20-.Ltmp10, $1  }
0x1f1: {  	_ =	sdelay $0x3  }
.LBB2_15:
0x1f2: {  	v42 =	vmov s24  }
0x1f3: {  	v39 =	vor.u32 $0x80000000, v42  }
0x1f4: {  	(xrf0) =	vmax.scan.msk.u32 $0xffff, v39;
	_ =	sdelay $0x5  }
0x1f5: {  	v39, _, _ =	vpop (xrf0)  }
0x1f6: {  	(v2sf) =	vpush v39, $0xF;
	_ =	sdelay $0xe  }
0x1f7: {  	s25 =	spop (v2sf)  }
0x1f8: {  	p1 =	seq.s32 s25, $0x80000000  }
.Ltmp11:
0x1f9: {  	_ = 	snop;
	(pc) =	sbr.rel @p1 .LBB2_17-.Ltmp11, $4  }
0x1fa: {  	_ = 	snop  }
0x1fb: {  	vm13 =	veq.s32 v0, $0x0  }
0x1fc: {  	v34 =	vsel vm13, s24, v34  }
0x1fd: {  	v40 =	vimm.f32 $+Inf;
	v41 =	vimm.s32 $0x0;
	[tilespmem:$0x5880] =	vst v34;
	v39 =	vimm.s32 $0x0  }
.LBB2_16:
0x1fe: {  	v43 =	vshll.u32 v42, $0x7  }
0x1ff: {  	v43 =	vor.u32 v0, v43;
	_ =	sdelay $0x3  }
0x200: {  	v62 =	vld.idx.msk [tilespmem:v42+s20+$0x0], $0xffff  }
0x201: {  	v43 =	vld.idx.msk [tilespmem:v43+s22+$0x0], $0xffff;
	_ =	sdelay $0x4  }
0x202: {  	v42 =	vsub.f32 v43, v62;
	_ =	sdelay $0x1  }
0x203: {  	v42 =	vsub.f32 v42, v37  }
0x204: {  	vm13 =	veq.s32 v39, v0  }
0x205: {  	v41 =	vsel vm13, $0x1, v41;
	vm13 =	vlt.f32 v42, v40  }
0x206: {  	vm14 =	vne.s32 v41, $0x0;
	vm13 =	vmneg vm13  }
0x207: {  	vm13 =	vmor vm14, vm13  }
0x208: {  	v63 =	vsel vm13, v40, v42  }
0x209: {  	v42 =	vsel vm14, $0x7F800000, v63  }
0x20a: {  	(xrf0) =	vmin.scan.msk.f32 $0xffff, v42;
	_ =	sdelay $0x5  }
0x20b: {  	v44, _, _ =	vpop (xrf0)  }
0x20c: {  	v44 =	vbroadcast v44, $0xF;
	_ =	sdelay $0x1  }
0x20d: {  	v38 =	vsel vm13, v38, v39;
	vm13 =	veq.f32 v42, v44  }
0x20e: {  	v39 =	vmctz.xlane vm13;
	_ =	sdelay $0x4  }
0x20f: {  	[tilespmem:v34+s20+$0x0] =	vst.idx.add.f32.msk vm14, v44  }
0x210: {  	v42 =	vld.idx.msk [tilespmem:v39+s21+$0x0], $0xffff;
	_ =	sdelay $0x4  }
0x211: {  	v45 =	vxor.u32 $0x80000000, v42  }
0x212: {  	(xrf0) =	vmax.scan.msk.u32 $0xffff, v45;
	_ =	sdelay $0x5  }
0x213: {  	v45, _, _ =	vpop (xrf0)  }
0x214: {  	(v2sf) =	vpush v45, $0xF;
	_ =	sdelay $0xe  }
0x215: {  	s25 =	spop (v2sf)  }
0x216: {  	p1 =	sne.s32 s25, $0x80000000  }
.Ltmp12:
0x217: {  	_ = 	snop;
	(pc) =	sbr.rel @p1 .LBB2_16-.Ltmp12, $4  }
0x218: {  	_ = 	snop  }
0x219: {  	v43 =	vsub.f32 v63, v44  }
0x21a: {  	v44 =	vnsel vm14, $0x0, v44  }
0x21b: {  	v37 =	vsub.f32 v37, v44;
	v40 =	vsel vm14, v40, v43  }
.LBB2_17:
0x21c: {  	v40 =	vxor.u32 $0x80000000, v39  }
0x21d: {  	(xrf0) =	vmax.scan.msk.u32 $0xffff, v40;
	_ =	sdelay $0x5  }
0x21e: {  	v40, _, _ =	vpop (xrf0)  }
0x21f: {  	(v2sf) =	vpush v40, $0xF;
	_ =	sdelay $0xe  }
0x220: {  	s25 =	spop (v2sf)  }
0x221: {  	p1 =	seq.s32 s25, $0x80000000  }
.Ltmp13:
0x222: {  	_ = 	snop;
	(pc) =	sbr.rel @p1 .LBB2_19-.Ltmp13, $2  }
0x223: {  	_ =	sdelay $0x2  }
0x224: {  	[tilespmem:$0x4880] =	vst v38  }
.LBB2_18:
0x225: {  	v40 =	vadd.s32 $0x80, v39;
	_ =	sdelay $0x4  }
0x226: {  	v40 =	vld.idx.msk [tilespmem:v40+s19+$0x0], $0xffff;
	_ =	sdelay $0x4  }
0x227: {  	v41 =	vxor.u32 $0x80000000, v40  }
0x228: {  	(xrf0) =	vmax.scan.msk.u32 $0xffff, v41;
	_ =	sdelay $0x5  }
0x229: {  	v41, _, _ =	vpop (xrf0)  }
0x22a: {  	(v2sf) =	vpush v41, $0xF;
	_ =	sdelay $0xe  }
0x22b: {  	v63 =	vld.idx.msk [tilespmem:v40+s21+$0x0], $0xffff;
	s25 =	spop (v2sf)  }
0x22c: {  	p1 =	sne.s32 s25, $0x80000000  }
.Ltmp14:
0x22d: {  	_ = 	snop;
	(pc) =	sbr.rel @p1 .LBB2_18-.Ltmp14, $4  }
0x22e: {  	_ = 	snop  }
0x22f: {  	vm13 =	veq.s32 v39, v0  }
0x230: {  	v34 =	vsel vm13, v63, v34  }
0x231: {  	v39 =	vmov v40;
	[tilespmem:$0x5880] =	vst v34  }
.Ltmp15:
0x232: {  	_ = 	snop;
	(pc) =	sbr.rel .LBB2_19-.Ltmp15, $1  }
0x233: {  	_ =	sdelay $0x3  }
.LBB2_22:
0x234: {  	_ =	sfence.sel $0x180000  }
0x235: {  	[bflag:$0x0] =	sbarrier.arrive $0xFFFF  }
0x236: {  	p0 =	sne.s32 s1, $0x0;
	_ =	strace $0x90000047  }
0x237: {  	s0 =	sadd.s32 @!p0 $0x100000, s0;
	[bflag:$0x2] =	sbarrier.arrive $0xFFFF  }
0x238: {  	[sflag:s0] =	ssyncadd.tile.s32 @!p0 $0x1;
	_ =	shalt  }
.Lfunc_end2:
_tile_overlayer_lowered:
.L_overlay_start_2:
0x239: {  	(tag) =	ssettag $0x2  }
0x23a: {  	s0 =	rddreg [dreg:$0x0];
	s2 =	stileid.u32  }
0x23b: {  	s1 =	rddreg [dreg:$0x1];
	p0 =	sne.s32 s2, $0x0  }
0x23c: {  	s3 =	rddreg [dreg:$0x2];
	[bflag:$0x3] =	sbarrier.arrive $0xFFFF;
	s2 =	simm.s32 @!p0 $0x1C03  }
0x23d: {  	[timem:s3], [sflag:s2] =	dma.local @!p0 [hbm:s0], s1  }
0x23e: {  	s0 =	simm.s32 @!p0 $0x3  }
0x23f: {  	_ =	swait.ge @!p0 [sflag:s0], s1  }
0x240: {  	s1 =	ssub.s32 @!p0 $0x0, s1;
	[sflag:s0] =	ssyncset.done @!p0 $0x0  }
0x241: {  	[sflag:s0] =	ssyncadd.s32 @!p0 s1  }
0x242: {  	[bflag:$0x3] =	sbarrier.arrive $0xFFFF  }
0x243: {  	_ =	shalt  }

</sc_bundles>
